<compile_context>
chip_gen: v7x
topology: tpu7x:2x2x1
jax: 0.10.2.dev20260603
libtpu: 0.0.44.dev20260713+nightly
codegen_flags: <defaults>
</compile_context>

<pallas_src>
import functools

import jax
import jax.numpy as jnp
from jax import lax
from jax.experimental import pallas as pl
from jax.experimental.pallas import tpu as pltpu
from jax.experimental.pallas import tpu_sc as plsc

_CHUNK = 32
_NBUF = 4


@functools.partial(jax.jit, static_argnames=("n", "d"))
def _embed_flat(tokens_flat, W_E, n, d):
    info = plsc.get_sparse_core_info()
    nw = info.num_cores * info.num_subcores
    n_per_w = n // nw
    n_chunks = n_per_w // _CHUNK
    mesh = plsc.VectorSubcoreMesh(core_axis_name="c", subcore_axis_name="s")

    @functools.partial(
        pl.kernel,
        mesh=mesh,
        out_type=jax.ShapeDtypeStruct((n, d), jnp.float32),
        scratch_types=[
            pltpu.VMEM((n_per_w,), jnp.int32),
        ]
        + [pltpu.VMEM((_CHUNK, d), jnp.float32) for _ in range(_NBUF)]
        + [pltpu.SemaphoreType.DMA for _ in range(2 * _NBUF)],
    )
    def k(tok_hbm, table_hbm, out_hbm, idx_v, *rest):
        bufs = rest[:_NBUF]
        gsems = rest[_NBUF : 2 * _NBUF]
        wsems = rest[2 * _NBUF :]
        wid = lax.axis_index("s") * info.num_cores + lax.axis_index("c")
        base = wid * n_per_w
        pltpu.sync_copy(tok_hbm.at[pl.ds(base, n_per_w)], idx_v)

        def start_gather(c):
            b = c % _NBUF
            return pltpu.async_copy(
                table_hbm.at[idx_v.at[pl.ds(c * _CHUNK, _CHUNK)]],
                bufs[b],
                gsems[b],
            )

        gathers = {}
        for c in range(min(_NBUF - 1, n_chunks)):
            gathers[c] = start_gather(c)
        for c in range(n_chunks):
            b = c % _NBUF
            gathers.pop(c).wait()
            nc = c + _NBUF - 1
            if nc < n_chunks:
                gathers[nc] = start_gather(nc)
        pltpu.async_copy(
            bufs[0], out_hbm.at[pl.ds(base, _CHUNK)], wsems[0]
        ).wait()

    return k(tokens_flat, W_E)


def kernel(tokens, W_E):
    b, s = tokens.shape
    v, d = W_E.shape
    flat = tokens.reshape(b * s).astype(jnp.int32)
    out = _embed_flat(flat, W_E, b * s, d)
    return out.reshape(b, s, d)

# --- scband reference (transcript-rebuilt; emitter-appended) ---
"""Pipeline reference for scband-embed-46780783788292 (READ-ONLY COPY).

The authoritative reference and input builder live on the scoring server;
editing this copy changes nothing except your own understanding.
"""

import jax, jax.numpy as jnp
import numpy as np

D_VOCAB = 50257
D_MODEL = 768
B = 4
S = 8192
INIT_RANGE = 0.02


def setup_inputs(seed: int = 0) -> dict:
    key = jax.random.key(seed)
    k_tok, k_w = jax.random.split(key)
    tokens = jax.random.randint(k_tok, (B, S), 0, D_VOCAB, dtype=jnp.int64 if jax.config.read('jax_enable_x64') else jnp.int32)
    W_E = jax.random.normal(k_w, (D_VOCAB, D_MODEL), dtype=jnp.float32) * INIT_RANGE
    return {"tokens": tokens, "W_E": W_E}


def reference(tokens, W_E):
    # embed = W_E[tokens, :]
    embed = jnp.take(W_E, tokens, axis=0)
    return embed

if __name__ == "__main__":
    import jax
    _d = setup_inputs()
    print(jax.jit(kernel)(*tuple(_d.values())))

</pallas_src>

<mosaic_0001>
#map = affine_map<(d0, d1) -> (0)>
#map1 = affine_map<(d0, d1) -> (0, 0)>
module attributes {stable_mosaic.version = 14 : i64} {
  func.func @k(%arg0: i32, %arg1: i32, %arg2: memref<32768xi32, #tpu.memory_space<hbm>>, %arg3: memref<50257x768xf32, #tpu.memory_space<hbm>>, %arg4: memref<32768x768xf32, #tpu.memory_space<hbm>>, %arg5: memref<1024xi32, #tpu.memory_space<vmem>>, %arg6: memref<32x768xf32, #tpu.memory_space<vmem>>, %arg7: memref<32x768xf32, #tpu.memory_space<vmem>>, %arg8: memref<32x768xf32, #tpu.memory_space<vmem>>, %arg9: memref<32x768xf32, #tpu.memory_space<vmem>>, %arg10: memref<!tpu.dma_semaphore, #tpu.memory_space<semaphore_mem>>, %arg11: memref<!tpu.dma_semaphore, #tpu.memory_space<semaphore_mem>>, %arg12: memref<!tpu.dma_semaphore, #tpu.memory_space<semaphore_mem>>, %arg13: memref<!tpu.dma_semaphore, #tpu.memory_space<semaphore_mem>>, %arg14: memref<!tpu.dma_semaphore, #tpu.memory_space<semaphore_mem>>, %arg15: memref<!tpu.dma_semaphore, #tpu.memory_space<semaphore_mem>>, %arg16: memref<!tpu.dma_semaphore, #tpu.memory_space<semaphore_mem>>, %arg17: memref<!tpu.dma_semaphore, #tpu.memory_space<semaphore_mem>>) attributes {dimension_semantics = [#tpu.dimension_semantics<core_parallel>, #tpu.dimension_semantics<subcore_parallel>], iteration_bounds = array<i64: 2, 16>, scalar_prefetch = 0 : i64, scratch_operands = 13 : i64, tpu.core_type = #tpu.core_type<sc_vector_subcore>, window_params = [{transform_indices = #map}, {transform_indices = #map1}, {transform_indices = #map1}]} {
    %mul3A = arith.constant 2 : i32
    %mul3A_0 = arith.muli %arg1, %mul3A : i32
    %add3A = arith.addi %mul3A_0, %arg0 : i32
    %mul3A_1 = arith.constant 1024 : i32
    %mul3A_2 = arith.muli %add3A, %mul3A_1 : i32
    "tpu.region"() ({
      %run_scoped3A = tpu.sem_alloc : memref<!tpu.dma_semaphore, #tpu.memory_space<semaphore_mem>>
      %dma_start3A_329 = tpu.memref_slice %arg2[%mul3A_2] : memref<32768xi32, #tpu.memory_space<hbm>> -> memref<1024xi32, #tpu.memory_space<hbm>>
      %dma_start3A_330 = tpu.memref_slice %arg2[%mul3A_2] : memref<32768xi32, #tpu.memory_space<hbm>> -> memref<1024xi32, #tpu.memory_space<hbm>>
      tpu.enqueue_dma source(%dma_start3A_330 : memref<1024xi32, #tpu.memory_space<hbm>>) target(%arg5 : memref<1024xi32, #tpu.memory_space<vmem>>) target_semaphore(%run_scoped3A : memref<!tpu.dma_semaphore, #tpu.memory_space<semaphore_mem>>)
      %dma_wait3A_331 = tpu.memref_slice %arg2[%mul3A_2] : memref<32768xi32, #tpu.memory_space<hbm>> -> memref<1024xi32, #tpu.memory_space<hbm>>
      %dma_wait3A_332 = tpu.memref_slice %arg2[%mul3A_2] : memref<32768xi32, #tpu.memory_space<hbm>> -> memref<1024xi32, #tpu.memory_space<hbm>>
      tpu.wait_dma2 semaphore(%run_scoped3A : memref<!tpu.dma_semaphore, #tpu.memory_space<semaphore_mem>>) src(%dma_wait3A_332 : memref<1024xi32, #tpu.memory_space<hbm>>) dst(%arg5 : memref<1024xi32, #tpu.memory_space<vmem>>)
      tpu.yield
    }) : () -> ()
    %dma_start3A = arith.constant 0 : i32
    %dma_start3A_3 = tpu.memref_slice %arg5[%dma_start3A] : memref<1024xi32, #tpu.memory_space<vmem>> -> memref<32xi32, #tpu.memory_space<vmem>>
    %dma_start3A_4 = arith.constant 0 : i32
    %dma_start3A_5 = arith.constant 0 : i32
    %dma_start3A_6 = tpu.memref_slice %arg3[%dma_start3A_4, %dma_start3A_5] : memref<50257x768xf32, #tpu.memory_space<hbm>> -> memref<50257x768xf32, #tpu.memory_space<hbm>>
    tpu.enqueue_indirect_dma source(%dma_start3A_6 : memref<50257x768xf32, #tpu.memory_space<hbm>>) target(%arg6 : memref<32x768xf32, #tpu.memory_space<vmem>>) offsets(%dma_start3A_3 : memref<32xi32, #tpu.memory_space<vmem>>) semaphore(%arg10 : memref<!tpu.dma_semaphore, #tpu.memory_space<semaphore_mem>>)
    %dma_start3A_7 = arith.constant 32 : i32
    %dma_start3A_8 = tpu.memref_slice %arg5[%dma_start3A_7] : memref<1024xi32, #tpu.memory_space<vmem>> -> memref<32xi32, #tpu.memory_space<vmem>>
    %dma_start3A_9 = arith.constant 0 : i32
    %dma_start3A_10 = arith.constant 0 : i32
    %dma_start3A_11 = tpu.memref_slice %arg3[%dma_start3A_9, %dma_start3A_10] : memref<50257x768xf32, #tpu.memory_space<hbm>> -> memref<50257x768xf32, #tpu.memory_space<hbm>>
    tpu.enqueue_indirect_dma source(%dma_start3A_11 : memref<50257x768xf32, #tpu.memory_space<hbm>>) target(%arg7 : memref<32x768xf32, #tpu.memory_space<vmem>>) offsets(%dma_start3A_8 : memref<32xi32, #tpu.memory_space<vmem>>) semaphore(%arg11 : memref<!tpu.dma_semaphore, #tpu.memory_space<semaphore_mem>>)
    %dma_start3A_12 = arith.constant 64 : i32
    %dma_start3A_13 = tpu.memref_slice %arg5[%dma_start3A_12] : memref<1024xi32, #tpu.memory_space<vmem>> -> memref<32xi32, #tpu.memory_space<vmem>>
    %dma_start3A_14 = arith.constant 0 : i32
    %dma_start3A_15 = arith.constant 0 : i32
    %dma_start3A_16 = tpu.memref_slice %arg3[%dma_start3A_14, %dma_start3A_15] : memref<50257x768xf32, #tpu.memory_space<hbm>> -> memref<50257x768xf32, #tpu.memory_space<hbm>>
    tpu.enqueue_indirect_dma source(%dma_start3A_16 : memref<50257x768xf32, #tpu.memory_space<hbm>>) target(%arg8 : memref<32x768xf32, #tpu.memory_space<vmem>>) offsets(%dma_start3A_13 : memref<32xi32, #tpu.memory_space<vmem>>) semaphore(%arg12 : memref<!tpu.dma_semaphore, #tpu.memory_space<semaphore_mem>>)
    %dma_wait3A = arith.constant 0 : i32
    %dma_wait3A_17 = tpu.memref_slice %arg5[%dma_wait3A] : memref<1024xi32, #tpu.memory_space<vmem>> -> memref<32xi32, #tpu.memory_space<vmem>>
    %dma_wait3A_18 = arith.constant 0 : i32
    %dma_wait3A_19 = arith.constant 0 : i32
    %dma_wait3A_20 = tpu.memref_slice %arg3[%dma_wait3A_18, %dma_wait3A_19] : memref<50257x768xf32, #tpu.memory_space<hbm>> -> memref<50257x768xf32, #tpu.memory_space<hbm>>
    tpu.wait_indirect_dma semaphore(%arg10 : memref<!tpu.dma_semaphore, #tpu.memory_space<semaphore_mem>>) src(%dma_wait3A_20 : memref<50257x768xf32, #tpu.memory_space<hbm>>) dst(%arg6 : memref<32x768xf32, #tpu.memory_space<vmem>>)
    %dma_start3A_21 = arith.constant 96 : i32
    %dma_start3A_22 = tpu.memref_slice %arg5[%dma_start3A_21] : memref<1024xi32, #tpu.memory_space<vmem>> -> memref<32xi32, #tpu.memory_space<vmem>>
    %dma_start3A_23 = arith.constant 0 : i32
    %dma_start3A_24 = arith.constant 0 : i32
    %dma_start3A_25 = tpu.memref_slice %arg3[%dma_start3A_23, %dma_start3A_24] : memref<50257x768xf32, #tpu.memory_space<hbm>> -> memref<50257x768xf32, #tpu.memory_space<hbm>>
    tpu.enqueue_indirect_dma source(%dma_start3A_25 : memref<50257x768xf32, #tpu.memory_space<hbm>>) target(%arg9 : memref<32x768xf32, #tpu.memory_space<vmem>>) offsets(%dma_start3A_22 : memref<32xi32, #tpu.memory_space<vmem>>) semaphore(%arg13 : memref<!tpu.dma_semaphore, #tpu.memory_space<semaphore_mem>>)
    %dma_wait3A_26 = arith.constant 32 : i32
    %dma_wait3A_27 = tpu.memref_slice %arg5[%dma_wait3A_26] : memref<1024xi32, #tpu.memory_space<vmem>> -> memref<32xi32, #tpu.memory_space<vmem>>
    %dma_wait3A_28 = arith.constant 0 : i32
    %dma_wait3A_29 = arith.constant 0 : i32
    %dma_wait3A_30 = tpu.memref_slice %arg3[%dma_wait3A_28, %dma_wait3A_29] : memref<50257x768xf32, #tpu.memory_space<hbm>> -> memref<50257x768xf32, #tpu.memory_space<hbm>>
    tpu.wait_indirect_dma semaphore(%arg11 : memref<!tpu.dma_semaphore, #tpu.memory_space<semaphore_mem>>) src(%dma_wait3A_30 : memref<50257x768xf32, #tpu.memory_space<hbm>>) dst(%arg7 : memref<32x768xf32, #tpu.memory_space<vmem>>)
    %dma_start3A_31 = arith.constant 128 : i32
    %dma_start3A_32 = tpu.memref_slice %arg5[%dma_start3A_31] : memref<1024xi32, #tpu.memory_space<vmem>> -> memref<32xi32, #tpu.memory_space<vmem>>
    %dma_start3A_33 = arith.constant 0 : i32
    %dma_start3A_34 = arith.constant 0 : i32
    %dma_start3A_35 = tpu.memref_slice %arg3[%dma_start3A_33, %dma_start3A_34] : memref<50257x768xf32, #tpu.memory_space<hbm>> -> memref<50257x768xf32, #tpu.memory_space<hbm>>
    tpu.enqueue_indirect_dma source(%dma_start3A_35 : memref<50257x768xf32, #tpu.memory_space<hbm>>) target(%arg6 : memref<32x768xf32, #tpu.memory_space<vmem>>) offsets(%dma_start3A_32 : memref<32xi32, #tpu.memory_space<vmem>>) semaphore(%arg10 : memref<!tpu.dma_semaphore, #tpu.memory_space<semaphore_mem>>)
    %dma_wait3A_36 = arith.constant 64 : i32
    %dma_wait3A_37 = tpu.memref_slice %arg5[%dma_wait3A_36] : memref<1024xi32, #tpu.memory_space<vmem>> -> memref<32xi32, #tpu.memory_space<vmem>>
    %dma_wait3A_38 = arith.constant 0 : i32
    %dma_wait3A_39 = arith.constant 0 : i32
    %dma_wait3A_40 = tpu.memref_slice %arg3[%dma_wait3A_38, %dma_wait3A_39] : memref<50257x768xf32, #tpu.memory_space<hbm>> -> memref<50257x768xf32, #tpu.memory_space<hbm>>
    tpu.wait_indirect_dma semaphore(%arg12 : memref<!tpu.dma_semaphore, #tpu.memory_space<semaphore_mem>>) src(%dma_wait3A_40 : memref<50257x768xf32, #tpu.memory_space<hbm>>) dst(%arg8 : memref<32x768xf32, #tpu.memory_space<vmem>>)
    %dma_start3A_41 = arith.constant 160 : i32
    %dma_start3A_42 = tpu.memref_slice %arg5[%dma_start3A_41] : memref<1024xi32, #tpu.memory_space<vmem>> -> memref<32xi32, #tpu.memory_space<vmem>>
    %dma_start3A_43 = arith.constant 0 : i32
    %dma_start3A_44 = arith.constant 0 : i32
    %dma_start3A_45 = tpu.memref_slice %arg3[%dma_start3A_43, %dma_start3A_44] : memref<50257x768xf32, #tpu.memory_space<hbm>> -> memref<50257x768xf32, #tpu.memory_space<hbm>>
    tpu.enqueue_indirect_dma source(%dma_start3A_45 : memref<50257x768xf32, #tpu.memory_space<hbm>>) target(%arg7 : memref<32x768xf32, #tpu.memory_space<vmem>>) offsets(%dma_start3A_42 : memref<32xi32, #tpu.memory_space<vmem>>) semaphore(%arg11 : memref<!tpu.dma_semaphore, #tpu.memory_space<semaphore_mem>>)
    %dma_wait3A_46 = arith.constant 96 : i32
    %dma_wait3A_47 = tpu.memref_slice %arg5[%dma_wait3A_46] : memref<1024xi32, #tpu.memory_space<vmem>> -> memref<32xi32, #tpu.memory_space<vmem>>
    %dma_wait3A_48 = arith.constant 0 : i32
    %dma_wait3A_49 = arith.constant 0 : i32
    %dma_wait3A_50 = tpu.memref_slice %arg3[%dma_wait3A_48, %dma_wait3A_49] : memref<50257x768xf32, #tpu.memory_space<hbm>> -> memref<50257x768xf32, #tpu.memory_space<hbm>>
    tpu.wait_indirect_dma semaphore(%arg13 : memref<!tpu.dma_semaphore, #tpu.memory_space<semaphore_mem>>) src(%dma_wait3A_50 : memref<50257x768xf32, #tpu.memory_space<hbm>>) dst(%arg9 : memref<32x768xf32, #tpu.memory_space<vmem>>)
    %dma_start3A_51 = arith.constant 192 : i32
    %dma_start3A_52 = tpu.memref_slice %arg5[%dma_start3A_51] : memref<1024xi32, #tpu.memory_space<vmem>> -> memref<32xi32, #tpu.memory_space<vmem>>
    %dma_start3A_53 = arith.constant 0 : i32
    %dma_start3A_54 = arith.constant 0 : i32
    %dma_start3A_55 = tpu.memref_slice %arg3[%dma_start3A_53, %dma_start3A_54] : memref<50257x768xf32, #tpu.memory_space<hbm>> -> memref<50257x768xf32, #tpu.memory_space<hbm>>
    tpu.enqueue_indirect_dma source(%dma_start3A_55 : memref<50257x768xf32, #tpu.memory_space<hbm>>) target(%arg8 : memref<32x768xf32, #tpu.memory_space<vmem>>) offsets(%dma_start3A_52 : memref<32xi32, #tpu.memory_space<vmem>>) semaphore(%arg12 : memref<!tpu.dma_semaphore, #tpu.memory_space<semaphore_mem>>)
    %dma_wait3A_56 = arith.constant 128 : i32
    %dma_wait3A_57 = tpu.memref_slice %arg5[%dma_wait3A_56] : memref<1024xi32, #tpu.memory_space<vmem>> -> memref<32xi32, #tpu.memory_space<vmem>>
    %dma_wait3A_58 = arith.constant 0 : i32
    %dma_wait3A_59 = arith.constant 0 : i32
    %dma_wait3A_60 = tpu.memref_slice %arg3[%dma_wait3A_58, %dma_wait3A_59] : memref<50257x768xf32, #tpu.memory_space<hbm>> -> memref<50257x768xf32, #tpu.memory_space<hbm>>
    tpu.wait_indirect_dma semaphore(%arg10 : memref<!tpu.dma_semaphore, #tpu.memory_space<semaphore_mem>>) src(%dma_wait3A_60 : memref<50257x768xf32, #tpu.memory_space<hbm>>) dst(%arg6 : memref<32x768xf32, #tpu.memory_space<vmem>>)
    %dma_start3A_61 = arith.constant 224 : i32
    %dma_start3A_62 = tpu.memref_slice %arg5[%dma_start3A_61] : memref<1024xi32, #tpu.memory_space<vmem>> -> memref<32xi32, #tpu.memory_space<vmem>>
    %dma_start3A_63 = arith.constant 0 : i32
    %dma_start3A_64 = arith.constant 0 : i32
    %dma_start3A_65 = tpu.memref_slice %arg3[%dma_start3A_63, %dma_start3A_64] : memref<50257x768xf32, #tpu.memory_space<hbm>> -> memref<50257x768xf32, #tpu.memory_space<hbm>>
    tpu.enqueue_indirect_dma source(%dma_start3A_65 : memref<50257x768xf32, #tpu.memory_space<hbm>>) target(%arg9 : memref<32x768xf32, #tpu.memory_space<vmem>>) offsets(%dma_start3A_62 : memref<32xi32, #tpu.memory_space<vmem>>) semaphore(%arg13 : memref<!tpu.dma_semaphore, #tpu.memory_space<semaphore_mem>>)
    %dma_wait3A_66 = arith.constant 160 : i32
    %dma_wait3A_67 = tpu.memref_slice %arg5[%dma_wait3A_66] : memref<1024xi32, #tpu.memory_space<vmem>> -> memref<32xi32, #tpu.memory_space<vmem>>
    %dma_wait3A_68 = arith.constant 0 : i32
    %dma_wait3A_69 = arith.constant 0 : i32
    %dma_wait3A_70 = tpu.memref_slice %arg3[%dma_wait3A_68, %dma_wait3A_69] : memref<50257x768xf32, #tpu.memory_space<hbm>> -> memref<50257x768xf32, #tpu.memory_space<hbm>>
    tpu.wait_indirect_dma semaphore(%arg11 : memref<!tpu.dma_semaphore, #tpu.memory_space<semaphore_mem>>) src(%dma_wait3A_70 : memref<50257x768xf32, #tpu.memory_space<hbm>>) dst(%arg7 : memref<32x768xf32, #tpu.memory_space<vmem>>)
    %dma_start3A_71 = arith.constant 256 : i32
    %dma_start3A_72 = tpu.memref_slice %arg5[%dma_start3A_71] : memref<1024xi32, #tpu.memory_space<vmem>> -> memref<32xi32, #tpu.memory_space<vmem>>
    %dma_start3A_73 = arith.constant 0 : i32
    %dma_start3A_74 = arith.constant 0 : i32
    %dma_start3A_75 = tpu.memref_slice %arg3[%dma_start3A_73, %dma_start3A_74] : memref<50257x768xf32, #tpu.memory_space<hbm>> -> memref<50257x768xf32, #tpu.memory_space<hbm>>
    tpu.enqueue_indirect_dma source(%dma_start3A_75 : memref<50257x768xf32, #tpu.memory_space<hbm>>) target(%arg6 : memref<32x768xf32, #tpu.memory_space<vmem>>) offsets(%dma_start3A_72 : memref<32xi32, #tpu.memory_space<vmem>>) semaphore(%arg10 : memref<!tpu.dma_semaphore, #tpu.memory_space<semaphore_mem>>)
    %dma_wait3A_76 = arith.constant 192 : i32
    %dma_wait3A_77 = tpu.memref_slice %arg5[%dma_wait3A_76] : memref<1024xi32, #tpu.memory_space<vmem>> -> memref<32xi32, #tpu.memory_space<vmem>>
    %dma_wait3A_78 = arith.constant 0 : i32
    %dma_wait3A_79 = arith.constant 0 : i32
    %dma_wait3A_80 = tpu.memref_slice %arg3[%dma_wait3A_78, %dma_wait3A_79] : memref<50257x768xf32, #tpu.memory_space<hbm>> -> memref<50257x768xf32, #tpu.memory_space<hbm>>
    tpu.wait_indirect_dma semaphore(%arg12 : memref<!tpu.dma_semaphore, #tpu.memory_space<semaphore_mem>>) src(%dma_wait3A_80 : memref<50257x768xf32, #tpu.memory_space<hbm>>) dst(%arg8 : memref<32x768xf32, #tpu.memory_space<vmem>>)
    %dma_start3A_81 = arith.constant 288 : i32
    %dma_start3A_82 = tpu.memref_slice %arg5[%dma_start3A_81] : memref<1024xi32, #tpu.memory_space<vmem>> -> memref<32xi32, #tpu.memory_space<vmem>>
    %dma_start3A_83 = arith.constant 0 : i32
    %dma_start3A_84 = arith.constant 0 : i32
    %dma_start3A_85 = tpu.memref_slice %arg3[%dma_start3A_83, %dma_start3A_84] : memref<50257x768xf32, #tpu.memory_space<hbm>> -> memref<50257x768xf32, #tpu.memory_space<hbm>>
    tpu.enqueue_indirect_dma source(%dma_start3A_85 : memref<50257x768xf32, #tpu.memory_space<hbm>>) target(%arg7 : memref<32x768xf32, #tpu.memory_space<vmem>>) offsets(%dma_start3A_82 : memref<32xi32, #tpu.memory_space<vmem>>) semaphore(%arg11 : memref<!tpu.dma_semaphore, #tpu.memory_space<semaphore_mem>>)
    %dma_wait3A_86 = arith.constant 224 : i32
    %dma_wait3A_87 = tpu.memref_slice %arg5[%dma_wait3A_86] : memref<1024xi32, #tpu.memory_space<vmem>> -> memref<32xi32, #tpu.memory_space<vmem>>
    %dma_wait3A_88 = arith.constant 0 : i32
    %dma_wait3A_89 = arith.constant 0 : i32
    %dma_wait3A_90 = tpu.memref_slice %arg3[%dma_wait3A_88, %dma_wait3A_89] : memref<50257x768xf32, #tpu.memory_space<hbm>> -> memref<50257x768xf32, #tpu.memory_space<hbm>>
    tpu.wait_indirect_dma semaphore(%arg13 : memref<!tpu.dma_semaphore, #tpu.memory_space<semaphore_mem>>) src(%dma_wait3A_90 : memref<50257x768xf32, #tpu.memory_space<hbm>>) dst(%arg9 : memref<32x768xf32, #tpu.memory_space<vmem>>)
    %dma_start3A_91 = arith.constant 320 : i32
    %dma_start3A_92 = tpu.memref_slice %arg5[%dma_start3A_91] : memref<1024xi32, #tpu.memory_space<vmem>> -> memref<32xi32, #tpu.memory_space<vmem>>
    %dma_start3A_93 = arith.constant 0 : i32
    %dma_start3A_94 = arith.constant 0 : i32
    %dma_start3A_95 = tpu.memref_slice %arg3[%dma_start3A_93, %dma_start3A_94] : memref<50257x768xf32, #tpu.memory_space<hbm>> -> memref<50257x768xf32, #tpu.memory_space<hbm>>
    tpu.enqueue_indirect_dma source(%dma_start3A_95 : memref<50257x768xf32, #tpu.memory_space<hbm>>) target(%arg8 : memref<32x768xf32, #tpu.memory_space<vmem>>) offsets(%dma_start3A_92 : memref<32xi32, #tpu.memory_space<vmem>>) semaphore(%arg12 : memref<!tpu.dma_semaphore, #tpu.memory_space<semaphore_mem>>)
    %dma_wait3A_96 = arith.constant 256 : i32
    %dma_wait3A_97 = tpu.memref_slice %arg5[%dma_wait3A_96] : memref<1024xi32, #tpu.memory_space<vmem>> -> memref<32xi32, #tpu.memory_space<vmem>>
    %dma_wait3A_98 = arith.constant 0 : i32
    %dma_wait3A_99 = arith.constant 0 : i32
    %dma_wait3A_100 = tpu.memref_slice %arg3[%dma_wait3A_98, %dma_wait3A_99] : memref<50257x768xf32, #tpu.memory_space<hbm>> -> memref<50257x768xf32, #tpu.memory_space<hbm>>
    tpu.wait_indirect_dma semaphore(%arg10 : memref<!tpu.dma_semaphore, #tpu.memory_space<semaphore_mem>>) src(%dma_wait3A_100 : memref<50257x768xf32, #tpu.memory_space<hbm>>) dst(%arg6 : memref<32x768xf32, #tpu.memory_space<vmem>>)
    %dma_start3A_101 = arith.constant 352 : i32
    %dma_start3A_102 = tpu.memref_slice %arg5[%dma_start3A_101] : memref<1024xi32, #tpu.memory_space<vmem>> -> memref<32xi32, #tpu.memory_space<vmem>>
    %dma_start3A_103 = arith.constant 0 : i32
    %dma_start3A_104 = arith.constant 0 : i32
    %dma_start3A_105 = tpu.memref_slice %arg3[%dma_start3A_103, %dma_start3A_104] : memref<50257x768xf32, #tpu.memory_space<hbm>> -> memref<50257x768xf32, #tpu.memory_space<hbm>>
    tpu.enqueue_indirect_dma source(%dma_start3A_105 : memref<50257x768xf32, #tpu.memory_space<hbm>>) target(%arg9 : memref<32x768xf32, #tpu.memory_space<vmem>>) offsets(%dma_start3A_102 : memref<32xi32, #tpu.memory_space<vmem>>) semaphore(%arg13 : memref<!tpu.dma_semaphore, #tpu.memory_space<semaphore_mem>>)
    %dma_wait3A_106 = arith.constant 288 : i32
    %dma_wait3A_107 = tpu.memref_slice %arg5[%dma_wait3A_106] : memref<1024xi32, #tpu.memory_space<vmem>> -> memref<32xi32, #tpu.memory_space<vmem>>
    %dma_wait3A_108 = arith.constant 0 : i32
    %dma_wait3A_109 = arith.constant 0 : i32
    %dma_wait3A_110 = tpu.memref_slice %arg3[%dma_wait3A_108, %dma_wait3A_109] : memref<50257x768xf32, #tpu.memory_space<hbm>> -> memref<50257x768xf32, #tpu.memory_space<hbm>>
    tpu.wait_indirect_dma semaphore(%arg11 : memref<!tpu.dma_semaphore, #tpu.memory_space<semaphore_mem>>) src(%dma_wait3A_110 : memref<50257x768xf32, #tpu.memory_space<hbm>>) dst(%arg7 : memref<32x768xf32, #tpu.memory_space<vmem>>)
    %dma_start3A_111 = arith.constant 384 : i32
    %dma_start3A_112 = tpu.memref_slice %arg5[%dma_start3A_111] : memref<1024xi32, #tpu.memory_space<vmem>> -> memref<32xi32, #tpu.memory_space<vmem>>
    %dma_start3A_113 = arith.constant 0 : i32
    %dma_start3A_114 = arith.constant 0 : i32
    %dma_start3A_115 = tpu.memref_slice %arg3[%dma_start3A_113, %dma_start3A_114] : memref<50257x768xf32, #tpu.memory_space<hbm>> -> memref<50257x768xf32, #tpu.memory_space<hbm>>
    tpu.enqueue_indirect_dma source(%dma_start3A_115 : memref<50257x768xf32, #tpu.memory_space<hbm>>) target(%arg6 : memref<32x768xf32, #tpu.memory_space<vmem>>) offsets(%dma_start3A_112 : memref<32xi32, #tpu.memory_space<vmem>>) semaphore(%arg10 : memref<!tpu.dma_semaphore, #tpu.memory_space<semaphore_mem>>)
    %dma_wait3A_116 = arith.constant 320 : i32
    %dma_wait3A_117 = tpu.memref_slice %arg5[%dma_wait3A_116] : memref<1024xi32, #tpu.memory_space<vmem>> -> memref<32xi32, #tpu.memory_space<vmem>>
    %dma_wait3A_118 = arith.constant 0 : i32
    %dma_wait3A_119 = arith.constant 0 : i32
    %dma_wait3A_120 = tpu.memref_slice %arg3[%dma_wait3A_118, %dma_wait3A_119] : memref<50257x768xf32, #tpu.memory_space<hbm>> -> memref<50257x768xf32, #tpu.memory_space<hbm>>
    tpu.wait_indirect_dma semaphore(%arg12 : memref<!tpu.dma_semaphore, #tpu.memory_space<semaphore_mem>>) src(%dma_wait3A_120 : memref<50257x768xf32, #tpu.memory_space<hbm>>) dst(%arg8 : memref<32x768xf32, #tpu.memory_space<vmem>>)
    %dma_start3A_121 = arith.constant 416 : i32
    %dma_start3A_122 = tpu.memref_slice %arg5[%dma_start3A_121] : memref<1024xi32, #tpu.memory_space<vmem>> -> memref<32xi32, #tpu.memory_space<vmem>>
    %dma_start3A_123 = arith.constant 0 : i32
    %dma_start3A_124 = arith.constant 0 : i32
    %dma_start3A_125 = tpu.memref_slice %arg3[%dma_start3A_123, %dma_start3A_124] : memref<50257x768xf32, #tpu.memory_space<hbm>> -> memref<50257x768xf32, #tpu.memory_space<hbm>>
    tpu.enqueue_indirect_dma source(%dma_start3A_125 : memref<50257x768xf32, #tpu.memory_space<hbm>>) target(%arg7 : memref<32x768xf32, #tpu.memory_space<vmem>>) offsets(%dma_start3A_122 : memref<32xi32, #tpu.memory_space<vmem>>) semaphore(%arg11 : memref<!tpu.dma_semaphore, #tpu.memory_space<semaphore_mem>>)
    %dma_wait3A_126 = arith.constant 352 : i32
    %dma_wait3A_127 = tpu.memref_slice %arg5[%dma_wait3A_126] : memref<1024xi32, #tpu.memory_space<vmem>> -> memref<32xi32, #tpu.memory_space<vmem>>
    %dma_wait3A_128 = arith.constant 0 : i32
    %dma_wait3A_129 = arith.constant 0 : i32
    %dma_wait3A_130 = tpu.memref_slice %arg3[%dma_wait3A_128, %dma_wait3A_129] : memref<50257x768xf32, #tpu.memory_space<hbm>> -> memref<50257x768xf32, #tpu.memory_space<hbm>>
    tpu.wait_indirect_dma semaphore(%arg13 : memref<!tpu.dma_semaphore, #tpu.memory_space<semaphore_mem>>) src(%dma_wait3A_130 : memref<50257x768xf32, #tpu.memory_space<hbm>>) dst(%arg9 : memref<32x768xf32, #tpu.memory_space<vmem>>)
    %dma_start3A_131 = arith.constant 448 : i32
    %dma_start3A_132 = tpu.memref_slice %arg5[%dma_start3A_131] : memref<1024xi32, #tpu.memory_space<vmem>> -> memref<32xi32, #tpu.memory_space<vmem>>
    %dma_start3A_133 = arith.constant 0 : i32
    %dma_start3A_134 = arith.constant 0 : i32
    %dma_start3A_135 = tpu.memref_slice %arg3[%dma_start3A_133, %dma_start3A_134] : memref<50257x768xf32, #tpu.memory_space<hbm>> -> memref<50257x768xf32, #tpu.memory_space<hbm>>
    tpu.enqueue_indirect_dma source(%dma_start3A_135 : memref<50257x768xf32, #tpu.memory_space<hbm>>) target(%arg8 : memref<32x768xf32, #tpu.memory_space<vmem>>) offsets(%dma_start3A_132 : memref<32xi32, #tpu.memory_space<vmem>>) semaphore(%arg12 : memref<!tpu.dma_semaphore, #tpu.memory_space<semaphore_mem>>)
    %dma_wait3A_136 = arith.constant 384 : i32
    %dma_wait3A_137 = tpu.memref_slice %arg5[%dma_wait3A_136] : memref<1024xi32, #tpu.memory_space<vmem>> -> memref<32xi32, #tpu.memory_space<vmem>>
    %dma_wait3A_138 = arith.constant 0 : i32
    %dma_wait3A_139 = arith.constant 0 : i32
    %dma_wait3A_140 = tpu.memref_slice %arg3[%dma_wait3A_138, %dma_wait3A_139] : memref<50257x768xf32, #tpu.memory_space<hbm>> -> memref<50257x768xf32, #tpu.memory_space<hbm>>
    tpu.wait_indirect_dma semaphore(%arg10 : memref<!tpu.dma_semaphore, #tpu.memory_space<semaphore_mem>>) src(%dma_wait3A_140 : memref<50257x768xf32, #tpu.memory_space<hbm>>) dst(%arg6 : memref<32x768xf32, #tpu.memory_space<vmem>>)
    %dma_start3A_141 = arith.constant 480 : i32
    %dma_start3A_142 = tpu.memref_slice %arg5[%dma_start3A_141] : memref<1024xi32, #tpu.memory_space<vmem>> -> memref<32xi32, #tpu.memory_space<vmem>>
    %dma_start3A_143 = arith.constant 0 : i32
    %dma_start3A_144 = arith.constant 0 : i32
    %dma_start3A_145 = tpu.memref_slice %arg3[%dma_start3A_143, %dma_start3A_144] : memref<50257x768xf32, #tpu.memory_space<hbm>> -> memref<50257x768xf32, #tpu.memory_space<hbm>>
    tpu.enqueue_indirect_dma source(%dma_start3A_145 : memref<50257x768xf32, #tpu.memory_space<hbm>>) target(%arg9 : memref<32x768xf32, #tpu.memory_space<vmem>>) offsets(%dma_start3A_142 : memref<32xi32, #tpu.memory_space<vmem>>) semaphore(%arg13 : memref<!tpu.dma_semaphore, #tpu.memory_space<semaphore_mem>>)
    %dma_wait3A_146 = arith.constant 416 : i32
    %dma_wait3A_147 = tpu.memref_slice %arg5[%dma_wait3A_146] : memref<1024xi32, #tpu.memory_space<vmem>> -> memref<32xi32, #tpu.memory_space<vmem>>
    %dma_wait3A_148 = arith.constant 0 : i32
    %dma_wait3A_149 = arith.constant 0 : i32
    %dma_wait3A_150 = tpu.memref_slice %arg3[%dma_wait3A_148, %dma_wait3A_149] : memref<50257x768xf32, #tpu.memory_space<hbm>> -> memref<50257x768xf32, #tpu.memory_space<hbm>>
    tpu.wait_indirect_dma semaphore(%arg11 : memref<!tpu.dma_semaphore, #tpu.memory_space<semaphore_mem>>) src(%dma_wait3A_150 : memref<50257x768xf32, #tpu.memory_space<hbm>>) dst(%arg7 : memref<32x768xf32, #tpu.memory_space<vmem>>)
    %dma_start3A_151 = arith.constant 512 : i32
    %dma_start3A_152 = tpu.memref_slice %arg5[%dma_start3A_151] : memref<1024xi32, #tpu.memory_space<vmem>> -> memref<32xi32, #tpu.memory_space<vmem>>
    %dma_start3A_153 = arith.constant 0 : i32
    %dma_start3A_154 = arith.constant 0 : i32
    %dma_start3A_155 = tpu.memref_slice %arg3[%dma_start3A_153, %dma_start3A_154] : memref<50257x768xf32, #tpu.memory_space<hbm>> -> memref<50257x768xf32, #tpu.memory_space<hbm>>
    tpu.enqueue_indirect_dma source(%dma_start3A_155 : memref<50257x768xf32, #tpu.memory_space<hbm>>) target(%arg6 : memref<32x768xf32, #tpu.memory_space<vmem>>) offsets(%dma_start3A_152 : memref<32xi32, #tpu.memory_space<vmem>>) semaphore(%arg10 : memref<!tpu.dma_semaphore, #tpu.memory_space<semaphore_mem>>)
    %dma_wait3A_156 = arith.constant 448 : i32
    %dma_wait3A_157 = tpu.memref_slice %arg5[%dma_wait3A_156] : memref<1024xi32, #tpu.memory_space<vmem>> -> memref<32xi32, #tpu.memory_space<vmem>>
    %dma_wait3A_158 = arith.constant 0 : i32
    %dma_wait3A_159 = arith.constant 0 : i32
    %dma_wait3A_160 = tpu.memref_slice %arg3[%dma_wait3A_158, %dma_wait3A_159] : memref<50257x768xf32, #tpu.memory_space<hbm>> -> memref<50257x768xf32, #tpu.memory_space<hbm>>
    tpu.wait_indirect_dma semaphore(%arg12 : memref<!tpu.dma_semaphore, #tpu.memory_space<semaphore_mem>>) src(%dma_wait3A_160 : memref<50257x768xf32, #tpu.memory_space<hbm>>) dst(%arg8 : memref<32x768xf32, #tpu.memory_space<vmem>>)
    %dma_start3A_161 = arith.constant 544 : i32
    %dma_start3A_162 = tpu.memref_slice %arg5[%dma_start3A_161] : memref<1024xi32, #tpu.memory_space<vmem>> -> memref<32xi32, #tpu.memory_space<vmem>>
    %dma_start3A_163 = arith.constant 0 : i32
    %dma_start3A_164 = arith.constant 0 : i32
    %dma_start3A_165 = tpu.memref_slice %arg3[%dma_start3A_163, %dma_start3A_164] : memref<50257x768xf32, #tpu.memory_space<hbm>> -> memref<50257x768xf32, #tpu.memory_space<hbm>>
    tpu.enqueue_indirect_dma source(%dma_start3A_165 : memref<50257x768xf32, #tpu.memory_space<hbm>>) target(%arg7 : memref<32x768xf32, #tpu.memory_space<vmem>>) offsets(%dma_start3A_162 : memref<32xi32, #tpu.memory_space<vmem>>) semaphore(%arg11 : memref<!tpu.dma_semaphore, #tpu.memory_space<semaphore_mem>>)
    %dma_wait3A_166 = arith.constant 480 : i32
    %dma_wait3A_167 = tpu.memref_slice %arg5[%dma_wait3A_166] : memref<1024xi32, #tpu.memory_space<vmem>> -> memref<32xi32, #tpu.memory_space<vmem>>
    %dma_wait3A_168 = arith.constant 0 : i32
    %dma_wait3A_169 = arith.constant 0 : i32
    %dma_wait3A_170 = tpu.memref_slice %arg3[%dma_wait3A_168, %dma_wait3A_169] : memref<50257x768xf32, #tpu.memory_space<hbm>> -> memref<50257x768xf32, #tpu.memory_space<hbm>>
    tpu.wait_indirect_dma semaphore(%arg13 : memref<!tpu.dma_semaphore, #tpu.memory_space<semaphore_mem>>) src(%dma_wait3A_170 : memref<50257x768xf32, #tpu.memory_space<hbm>>) dst(%arg9 : memref<32x768xf32, #tpu.memory_space<vmem>>)
    %dma_start3A_171 = arith.constant 576 : i32
    %dma_start3A_172 = tpu.memref_slice %arg5[%dma_start3A_171] : memref<1024xi32, #tpu.memory_space<vmem>> -> memref<32xi32, #tpu.memory_space<vmem>>
    %dma_start3A_173 = arith.constant 0 : i32
    %dma_start3A_174 = arith.constant 0 : i32
    %dma_start3A_175 = tpu.memref_slice %arg3[%dma_start3A_173, %dma_start3A_174] : memref<50257x768xf32, #tpu.memory_space<hbm>> -> memref<50257x768xf32, #tpu.memory_space<hbm>>
    tpu.enqueue_indirect_dma source(%dma_start3A_175 : memref<50257x768xf32, #tpu.memory_space<hbm>>) target(%arg8 : memref<32x768xf32, #tpu.memory_space<vmem>>) offsets(%dma_start3A_172 : memref<32xi32, #tpu.memory_space<vmem>>) semaphore(%arg12 : memref<!tpu.dma_semaphore, #tpu.memory_space<semaphore_mem>>)
    %dma_wait3A_176 = arith.constant 512 : i32
    %dma_wait3A_177 = tpu.memref_slice %arg5[%dma_wait3A_176] : memref<1024xi32, #tpu.memory_space<vmem>> -> memref<32xi32, #tpu.memory_space<vmem>>
    %dma_wait3A_178 = arith.constant 0 : i32
    %dma_wait3A_179 = arith.constant 0 : i32
    %dma_wait3A_180 = tpu.memref_slice %arg3[%dma_wait3A_178, %dma_wait3A_179] : memref<50257x768xf32, #tpu.memory_space<hbm>> -> memref<50257x768xf32, #tpu.memory_space<hbm>>
    tpu.wait_indirect_dma semaphore(%arg10 : memref<!tpu.dma_semaphore, #tpu.memory_space<semaphore_mem>>) src(%dma_wait3A_180 : memref<50257x768xf32, #tpu.memory_space<hbm>>) dst(%arg6 : memref<32x768xf32, #tpu.memory_space<vmem>>)
    %dma_start3A_181 = arith.constant 608 : i32
    %dma_start3A_182 = tpu.memref_slice %arg5[%dma_start3A_181] : memref<1024xi32, #tpu.memory_space<vmem>> -> memref<32xi32, #tpu.memory_space<vmem>>
    %dma_start3A_183 = arith.constant 0 : i32
    %dma_start3A_184 = arith.constant 0 : i32
    %dma_start3A_185 = tpu.memref_slice %arg3[%dma_start3A_183, %dma_start3A_184] : memref<50257x768xf32, #tpu.memory_space<hbm>> -> memref<50257x768xf32, #tpu.memory_space<hbm>>
    tpu.enqueue_indirect_dma source(%dma_start3A_185 : memref<50257x768xf32, #tpu.memory_space<hbm>>) target(%arg9 : memref<32x768xf32, #tpu.memory_space<vmem>>) offsets(%dma_start3A_182 : memref<32xi32, #tpu.memory_space<vmem>>) semaphore(%arg13 : memref<!tpu.dma_semaphore, #tpu.memory_space<semaphore_mem>>)
    %dma_wait3A_186 = arith.constant 544 : i32
    %dma_wait3A_187 = tpu.memref_slice %arg5[%dma_wait3A_186] : memref<1024xi32, #tpu.memory_space<vmem>> -> memref<32xi32, #tpu.memory_space<vmem>>
    %dma_wait3A_188 = arith.constant 0 : i32
    %dma_wait3A_189 = arith.constant 0 : i32
    %dma_wait3A_190 = tpu.memref_slice %arg3[%dma_wait3A_188, %dma_wait3A_189] : memref<50257x768xf32, #tpu.memory_space<hbm>> -> memref<50257x768xf32, #tpu.memory_space<hbm>>
    tpu.wait_indirect_dma semaphore(%arg11 : memref<!tpu.dma_semaphore, #tpu.memory_space<semaphore_mem>>) src(%dma_wait3A_190 : memref<50257x768xf32, #tpu.memory_space<hbm>>) dst(%arg7 : memref<32x768xf32, #tpu.memory_space<vmem>>)
    %dma_start3A_191 = arith.constant 640 : i32
    %dma_start3A_192 = tpu.memref_slice %arg5[%dma_start3A_191] : memref<1024xi32, #tpu.memory_space<vmem>> -> memref<32xi32, #tpu.memory_space<vmem>>
    %dma_start3A_193 = arith.constant 0 : i32
    %dma_start3A_194 = arith.constant 0 : i32
    %dma_start3A_195 = tpu.memref_slice %arg3[%dma_start3A_193, %dma_start3A_194] : memref<50257x768xf32, #tpu.memory_space<hbm>> -> memref<50257x768xf32, #tpu.memory_space<hbm>>
    tpu.enqueue_indirect_dma source(%dma_start3A_195 : memref<50257x768xf32, #tpu.memory_space<hbm>>) target(%arg6 : memref<32x768xf32, #tpu.memory_space<vmem>>) offsets(%dma_start3A_192 : memref<32xi32, #tpu.memory_space<vmem>>) semaphore(%arg10 : memref<!tpu.dma_semaphore, #tpu.memory_space<semaphore_mem>>)
    %dma_wait3A_196 = arith.constant 576 : i32
    %dma_wait3A_197 = tpu.memref_slice %arg5[%dma_wait3A_196] : memref<1024xi32, #tpu.memory_space<vmem>> -> memref<32xi32, #tpu.memory_space<vmem>>
    %dma_wait3A_198 = arith.constant 0 : i32
    %dma_wait3A_199 = arith.constant 0 : i32
    %dma_wait3A_200 = tpu.memref_slice %arg3[%dma_wait3A_198, %dma_wait3A_199] : memref<50257x768xf32, #tpu.memory_space<hbm>> -> memref<50257x768xf32, #tpu.memory_space<hbm>>
    tpu.wait_indirect_dma semaphore(%arg12 : memref<!tpu.dma_semaphore, #tpu.memory_space<semaphore_mem>>) src(%dma_wait3A_200 : memref<50257x768xf32, #tpu.memory_space<hbm>>) dst(%arg8 : memref<32x768xf32, #tpu.memory_space<vmem>>)
    %dma_start3A_201 = arith.constant 672 : i32
    %dma_start3A_202 = tpu.memref_slice %arg5[%dma_start3A_201] : memref<1024xi32, #tpu.memory_space<vmem>> -> memref<32xi32, #tpu.memory_space<vmem>>
    %dma_start3A_203 = arith.constant 0 : i32
    %dma_start3A_204 = arith.constant 0 : i32
    %dma_start3A_205 = tpu.memref_slice %arg3[%dma_start3A_203, %dma_start3A_204] : memref<50257x768xf32, #tpu.memory_space<hbm>> -> memref<50257x768xf32, #tpu.memory_space<hbm>>
    tpu.enqueue_indirect_dma source(%dma_start3A_205 : memref<50257x768xf32, #tpu.memory_space<hbm>>) target(%arg7 : memref<32x768xf32, #tpu.memory_space<vmem>>) offsets(%dma_start3A_202 : memref<32xi32, #tpu.memory_space<vmem>>) semaphore(%arg11 : memref<!tpu.dma_semaphore, #tpu.memory_space<semaphore_mem>>)
    %dma_wait3A_206 = arith.constant 608 : i32
    %dma_wait3A_207 = tpu.memref_slice %arg5[%dma_wait3A_206] : memref<1024xi32, #tpu.memory_space<vmem>> -> memref<32xi32, #tpu.memory_space<vmem>>
    %dma_wait3A_208 = arith.constant 0 : i32
    %dma_wait3A_209 = arith.constant 0 : i32
    %dma_wait3A_210 = tpu.memref_slice %arg3[%dma_wait3A_208, %dma_wait3A_209] : memref<50257x768xf32, #tpu.memory_space<hbm>> -> memref<50257x768xf32, #tpu.memory_space<hbm>>
    tpu.wait_indirect_dma semaphore(%arg13 : memref<!tpu.dma_semaphore, #tpu.memory_space<semaphore_mem>>) src(%dma_wait3A_210 : memref<50257x768xf32, #tpu.memory_space<hbm>>) dst(%arg9 : memref<32x768xf32, #tpu.memory_space<vmem>>)
    %dma_start3A_211 = arith.constant 704 : i32
    %dma_start3A_212 = tpu.memref_slice %arg5[%dma_start3A_211] : memref<1024xi32, #tpu.memory_space<vmem>> -> memref<32xi32, #tpu.memory_space<vmem>>
    %dma_start3A_213 = arith.constant 0 : i32
    %dma_start3A_214 = arith.constant 0 : i32
    %dma_start3A_215 = tpu.memref_slice %arg3[%dma_start3A_213, %dma_start3A_214] : memref<50257x768xf32, #tpu.memory_space<hbm>> -> memref<50257x768xf32, #tpu.memory_space<hbm>>
    tpu.enqueue_indirect_dma source(%dma_start3A_215 : memref<50257x768xf32, #tpu.memory_space<hbm>>) target(%arg8 : memref<32x768xf32, #tpu.memory_space<vmem>>) offsets(%dma_start3A_212 : memref<32xi32, #tpu.memory_space<vmem>>) semaphore(%arg12 : memref<!tpu.dma_semaphore, #tpu.memory_space<semaphore_mem>>)
    %dma_wait3A_216 = arith.constant 640 : i32
    %dma_wait3A_217 = tpu.memref_slice %arg5[%dma_wait3A_216] : memref<1024xi32, #tpu.memory_space<vmem>> -> memref<32xi32, #tpu.memory_space<vmem>>
    %dma_wait3A_218 = arith.constant 0 : i32
    %dma_wait3A_219 = arith.constant 0 : i32
    %dma_wait3A_220 = tpu.memref_slice %arg3[%dma_wait3A_218, %dma_wait3A_219] : memref<50257x768xf32, #tpu.memory_space<hbm>> -> memref<50257x768xf32, #tpu.memory_space<hbm>>
    tpu.wait_indirect_dma semaphore(%arg10 : memref<!tpu.dma_semaphore, #tpu.memory_space<semaphore_mem>>) src(%dma_wait3A_220 : memref<50257x768xf32, #tpu.memory_space<hbm>>) dst(%arg6 : memref<32x768xf32, #tpu.memory_space<vmem>>)
    %dma_start3A_221 = arith.constant 736 : i32
    %dma_start3A_222 = tpu.memref_slice %arg5[%dma_start3A_221] : memref<1024xi32, #tpu.memory_space<vmem>> -> memref<32xi32, #tpu.memory_space<vmem>>
    %dma_start3A_223 = arith.constant 0 : i32
    %dma_start3A_224 = arith.constant 0 : i32
    %dma_start3A_225 = tpu.memref_slice %arg3[%dma_start3A_223, %dma_start3A_224] : memref<50257x768xf32, #tpu.memory_space<hbm>> -> memref<50257x768xf32, #tpu.memory_space<hbm>>
    tpu.enqueue_indirect_dma source(%dma_start3A_225 : memref<50257x768xf32, #tpu.memory_space<hbm>>) target(%arg9 : memref<32x768xf32, #tpu.memory_space<vmem>>) offsets(%dma_start3A_222 : memref<32xi32, #tpu.memory_space<vmem>>) semaphore(%arg13 : memref<!tpu.dma_semaphore, #tpu.memory_space<semaphore_mem>>)
    %dma_wait3A_226 = arith.constant 672 : i32
    %dma_wait3A_227 = tpu.memref_slice %arg5[%dma_wait3A_226] : memref<1024xi32, #tpu.memory_space<vmem>> -> memref<32xi32, #tpu.memory_space<vmem>>
    %dma_wait3A_228 = arith.constant 0 : i32
    %dma_wait3A_229 = arith.constant 0 : i32
    %dma_wait3A_230 = tpu.memref_slice %arg3[%dma_wait3A_228, %dma_wait3A_229] : memref<50257x768xf32, #tpu.memory_space<hbm>> -> memref<50257x768xf32, #tpu.memory_space<hbm>>
    tpu.wait_indirect_dma semaphore(%arg11 : memref<!tpu.dma_semaphore, #tpu.memory_space<semaphore_mem>>) src(%dma_wait3A_230 : memref<50257x768xf32, #tpu.memory_space<hbm>>) dst(%arg7 : memref<32x768xf32, #tpu.memory_space<vmem>>)
    %dma_start3A_231 = arith.constant 768 : i32
    %dma_start3A_232 = tpu.memref_slice %arg5[%dma_start3A_231] : memref<1024xi32, #tpu.memory_space<vmem>> -> memref<32xi32, #tpu.memory_space<vmem>>
    %dma_start3A_233 = arith.constant 0 : i32
    %dma_start3A_234 = arith.constant 0 : i32
    %dma_start3A_235 = tpu.memref_slice %arg3[%dma_start3A_233, %dma_start3A_234] : memref<50257x768xf32, #tpu.memory_space<hbm>> -> memref<50257x768xf32, #tpu.memory_space<hbm>>
    tpu.enqueue_indirect_dma source(%dma_start3A_235 : memref<50257x768xf32, #tpu.memory_space<hbm>>) target(%arg6 : memref<32x768xf32, #tpu.memory_space<vmem>>) offsets(%dma_start3A_232 : memref<32xi32, #tpu.memory_space<vmem>>) semaphore(%arg10 : memref<!tpu.dma_semaphore, #tpu.memory_space<semaphore_mem>>)
    %dma_wait3A_236 = arith.constant 704 : i32
    %dma_wait3A_237 = tpu.memref_slice %arg5[%dma_wait3A_236] : memref<1024xi32, #tpu.memory_space<vmem>> -> memref<32xi32, #tpu.memory_space<vmem>>
    %dma_wait3A_238 = arith.constant 0 : i32
    %dma_wait3A_239 = arith.constant 0 : i32
    %dma_wait3A_240 = tpu.memref_slice %arg3[%dma_wait3A_238, %dma_wait3A_239] : memref<50257x768xf32, #tpu.memory_space<hbm>> -> memref<50257x768xf32, #tpu.memory_space<hbm>>
    tpu.wait_indirect_dma semaphore(%arg12 : memref<!tpu.dma_semaphore, #tpu.memory_space<semaphore_mem>>) src(%dma_wait3A_240 : memref<50257x768xf32, #tpu.memory_space<hbm>>) dst(%arg8 : memref<32x768xf32, #tpu.memory_space<vmem>>)
    %dma_start3A_241 = arith.constant 800 : i32
    %dma_start3A_242 = tpu.memref_slice %arg5[%dma_start3A_241] : memref<1024xi32, #tpu.memory_space<vmem>> -> memref<32xi32, #tpu.memory_space<vmem>>
    %dma_start3A_243 = arith.constant 0 : i32
    %dma_start3A_244 = arith.constant 0 : i32
    %dma_start3A_245 = tpu.memref_slice %arg3[%dma_start3A_243, %dma_start3A_244] : memref<50257x768xf32, #tpu.memory_space<hbm>> -> memref<50257x768xf32, #tpu.memory_space<hbm>>
    tpu.enqueue_indirect_dma source(%dma_start3A_245 : memref<50257x768xf32, #tpu.memory_space<hbm>>) target(%arg7 : memref<32x768xf32, #tpu.memory_space<vmem>>) offsets(%dma_start3A_242 : memref<32xi32, #tpu.memory_space<vmem>>) semaphore(%arg11 : memref<!tpu.dma_semaphore, #tpu.memory_space<semaphore_mem>>)
    %dma_wait3A_246 = arith.constant 736 : i32
    %dma_wait3A_247 = tpu.memref_slice %arg5[%dma_wait3A_246] : memref<1024xi32, #tpu.memory_space<vmem>> -> memref<32xi32, #tpu.memory_space<vmem>>
    %dma_wait3A_248 = arith.constant 0 : i32
    %dma_wait3A_249 = arith.constant 0 : i32
    %dma_wait3A_250 = tpu.memref_slice %arg3[%dma_wait3A_248, %dma_wait3A_249] : memref<50257x768xf32, #tpu.memory_space<hbm>> -> memref<50257x768xf32, #tpu.memory_space<hbm>>
    tpu.wait_indirect_dma semaphore(%arg13 : memref<!tpu.dma_semaphore, #tpu.memory_space<semaphore_mem>>) src(%dma_wait3A_250 : memref<50257x768xf32, #tpu.memory_space<hbm>>) dst(%arg9 : memref<32x768xf32, #tpu.memory_space<vmem>>)
    %dma_start3A_251 = arith.constant 832 : i32
    %dma_start3A_252 = tpu.memref_slice %arg5[%dma_start3A_251] : memref<1024xi32, #tpu.memory_space<vmem>> -> memref<32xi32, #tpu.memory_space<vmem>>
    %dma_start3A_253 = arith.constant 0 : i32
    %dma_start3A_254 = arith.constant 0 : i32
    %dma_start3A_255 = tpu.memref_slice %arg3[%dma_start3A_253, %dma_start3A_254] : memref<50257x768xf32, #tpu.memory_space<hbm>> -> memref<50257x768xf32, #tpu.memory_space<hbm>>
    tpu.enqueue_indirect_dma source(%dma_start3A_255 : memref<50257x768xf32, #tpu.memory_space<hbm>>) target(%arg8 : memref<32x768xf32, #tpu.memory_space<vmem>>) offsets(%dma_start3A_252 : memref<32xi32, #tpu.memory_space<vmem>>) semaphore(%arg12 : memref<!tpu.dma_semaphore, #tpu.memory_space<semaphore_mem>>)
    %dma_wait3A_256 = arith.constant 768 : i32
    %dma_wait3A_257 = tpu.memref_slice %arg5[%dma_wait3A_256] : memref<1024xi32, #tpu.memory_space<vmem>> -> memref<32xi32, #tpu.memory_space<vmem>>
    %dma_wait3A_258 = arith.constant 0 : i32
    %dma_wait3A_259 = arith.constant 0 : i32
    %dma_wait3A_260 = tpu.memref_slice %arg3[%dma_wait3A_258, %dma_wait3A_259] : memref<50257x768xf32, #tpu.memory_space<hbm>> -> memref<50257x768xf32, #tpu.memory_space<hbm>>
    tpu.wait_indirect_dma semaphore(%arg10 : memref<!tpu.dma_semaphore, #tpu.memory_space<semaphore_mem>>) src(%dma_wait3A_260 : memref<50257x768xf32, #tpu.memory_space<hbm>>) dst(%arg6 : memref<32x768xf32, #tpu.memory_space<vmem>>)
    %dma_start3A_261 = arith.constant 864 : i32
    %dma_start3A_262 = tpu.memref_slice %arg5[%dma_start3A_261] : memref<1024xi32, #tpu.memory_space<vmem>> -> memref<32xi32, #tpu.memory_space<vmem>>
    %dma_start3A_263 = arith.constant 0 : i32
    %dma_start3A_264 = arith.constant 0 : i32
    %dma_start3A_265 = tpu.memref_slice %arg3[%dma_start3A_263, %dma_start3A_264] : memref<50257x768xf32, #tpu.memory_space<hbm>> -> memref<50257x768xf32, #tpu.memory_space<hbm>>
    tpu.enqueue_indirect_dma source(%dma_start3A_265 : memref<50257x768xf32, #tpu.memory_space<hbm>>) target(%arg9 : memref<32x768xf32, #tpu.memory_space<vmem>>) offsets(%dma_start3A_262 : memref<32xi32, #tpu.memory_space<vmem>>) semaphore(%arg13 : memref<!tpu.dma_semaphore, #tpu.memory_space<semaphore_mem>>)
    %dma_wait3A_266 = arith.constant 800 : i32
    %dma_wait3A_267 = tpu.memref_slice %arg5[%dma_wait3A_266] : memref<1024xi32, #tpu.memory_space<vmem>> -> memref<32xi32, #tpu.memory_space<vmem>>
    %dma_wait3A_268 = arith.constant 0 : i32
    %dma_wait3A_269 = arith.constant 0 : i32
    %dma_wait3A_270 = tpu.memref_slice %arg3[%dma_wait3A_268, %dma_wait3A_269] : memref<50257x768xf32, #tpu.memory_space<hbm>> -> memref<50257x768xf32, #tpu.memory_space<hbm>>
    tpu.wait_indirect_dma semaphore(%arg11 : memref<!tpu.dma_semaphore, #tpu.memory_space<semaphore_mem>>) src(%dma_wait3A_270 : memref<50257x768xf32, #tpu.memory_space<hbm>>) dst(%arg7 : memref<32x768xf32, #tpu.memory_space<vmem>>)
    %dma_start3A_271 = arith.constant 896 : i32
    %dma_start3A_272 = tpu.memref_slice %arg5[%dma_start3A_271] : memref<1024xi32, #tpu.memory_space<vmem>> -> memref<32xi32, #tpu.memory_space<vmem>>
    %dma_start3A_273 = arith.constant 0 : i32
    %dma_start3A_274 = arith.constant 0 : i32
    %dma_start3A_275 = tpu.memref_slice %arg3[%dma_start3A_273, %dma_start3A_274] : memref<50257x768xf32, #tpu.memory_space<hbm>> -> memref<50257x768xf32, #tpu.memory_space<hbm>>
    tpu.enqueue_indirect_dma source(%dma_start3A_275 : memref<50257x768xf32, #tpu.memory_space<hbm>>) target(%arg6 : memref<32x768xf32, #tpu.memory_space<vmem>>) offsets(%dma_start3A_272 : memref<32xi32, #tpu.memory_space<vmem>>) semaphore(%arg10 : memref<!tpu.dma_semaphore, #tpu.memory_space<semaphore_mem>>)
    %dma_wait3A_276 = arith.constant 832 : i32
    %dma_wait3A_277 = tpu.memref_slice %arg5[%dma_wait3A_276] : memref<1024xi32, #tpu.memory_space<vmem>> -> memref<32xi32, #tpu.memory_space<vmem>>
    %dma_wait3A_278 = arith.constant 0 : i32
    %dma_wait3A_279 = arith.constant 0 : i32
    %dma_wait3A_280 = tpu.memref_slice %arg3[%dma_wait3A_278, %dma_wait3A_279] : memref<50257x768xf32, #tpu.memory_space<hbm>> -> memref<50257x768xf32, #tpu.memory_space<hbm>>
    tpu.wait_indirect_dma semaphore(%arg12 : memref<!tpu.dma_semaphore, #tpu.memory_space<semaphore_mem>>) src(%dma_wait3A_280 : memref<50257x768xf32, #tpu.memory_space<hbm>>) dst(%arg8 : memref<32x768xf32, #tpu.memory_space<vmem>>)
    %dma_start3A_281 = arith.constant 928 : i32
    %dma_start3A_282 = tpu.memref_slice %arg5[%dma_start3A_281] : memref<1024xi32, #tpu.memory_space<vmem>> -> memref<32xi32, #tpu.memory_space<vmem>>
    %dma_start3A_283 = arith.constant 0 : i32
    %dma_start3A_284 = arith.constant 0 : i32
    %dma_start3A_285 = tpu.memref_slice %arg3[%dma_start3A_283, %dma_start3A_284] : memref<50257x768xf32, #tpu.memory_space<hbm>> -> memref<50257x768xf32, #tpu.memory_space<hbm>>
    tpu.enqueue_indirect_dma source(%dma_start3A_285 : memref<50257x768xf32, #tpu.memory_space<hbm>>) target(%arg7 : memref<32x768xf32, #tpu.memory_space<vmem>>) offsets(%dma_start3A_282 : memref<32xi32, #tpu.memory_space<vmem>>) semaphore(%arg11 : memref<!tpu.dma_semaphore, #tpu.memory_space<semaphore_mem>>)
    %dma_wait3A_286 = arith.constant 864 : i32
    %dma_wait3A_287 = tpu.memref_slice %arg5[%dma_wait3A_286] : memref<1024xi32, #tpu.memory_space<vmem>> -> memref<32xi32, #tpu.memory_space<vmem>>
    %dma_wait3A_288 = arith.constant 0 : i32
    %dma_wait3A_289 = arith.constant 0 : i32
    %dma_wait3A_290 = tpu.memref_slice %arg3[%dma_wait3A_288, %dma_wait3A_289] : memref<50257x768xf32, #tpu.memory_space<hbm>> -> memref<50257x768xf32, #tpu.memory_space<hbm>>
    tpu.wait_indirect_dma semaphore(%arg13 : memref<!tpu.dma_semaphore, #tpu.memory_space<semaphore_mem>>) src(%dma_wait3A_290 : memref<50257x768xf32, #tpu.memory_space<hbm>>) dst(%arg9 : memref<32x768xf32, #tpu.memory_space<vmem>>)
    %dma_start3A_291 = arith.constant 960 : i32
    %dma_start3A_292 = tpu.memref_slice %arg5[%dma_start3A_291] : memref<1024xi32, #tpu.memory_space<vmem>> -> memref<32xi32, #tpu.memory_space<vmem>>
    %dma_start3A_293 = arith.constant 0 : i32
    %dma_start3A_294 = arith.constant 0 : i32
    %dma_start3A_295 = tpu.memref_slice %arg3[%dma_start3A_293, %dma_start3A_294] : memref<50257x768xf32, #tpu.memory_space<hbm>> -> memref<50257x768xf32, #tpu.memory_space<hbm>>
    tpu.enqueue_indirect_dma source(%dma_start3A_295 : memref<50257x768xf32, #tpu.memory_space<hbm>>) target(%arg8 : memref<32x768xf32, #tpu.memory_space<vmem>>) offsets(%dma_start3A_292 : memref<32xi32, #tpu.memory_space<vmem>>) semaphore(%arg12 : memref<!tpu.dma_semaphore, #tpu.memory_space<semaphore_mem>>)
    %dma_wait3A_296 = arith.constant 896 : i32
    %dma_wait3A_297 = tpu.memref_slice %arg5[%dma_wait3A_296] : memref<1024xi32, #tpu.memory_space<vmem>> -> memref<32xi32, #tpu.memory_space<vmem>>
    %dma_wait3A_298 = arith.constant 0 : i32
    %dma_wait3A_299 = arith.constant 0 : i32
    %dma_wait3A_300 = tpu.memref_slice %arg3[%dma_wait3A_298, %dma_wait3A_299] : memref<50257x768xf32, #tpu.memory_space<hbm>> -> memref<50257x768xf32, #tpu.memory_space<hbm>>
    tpu.wait_indirect_dma semaphore(%arg10 : memref<!tpu.dma_semaphore, #tpu.memory_space<semaphore_mem>>) src(%dma_wait3A_300 : memref<50257x768xf32, #tpu.memory_space<hbm>>) dst(%arg6 : memref<32x768xf32, #tpu.memory_space<vmem>>)
    %dma_start3A_301 = arith.constant 992 : i32
    %dma_start3A_302 = tpu.memref_slice %arg5[%dma_start3A_301] : memref<1024xi32, #tpu.memory_space<vmem>> -> memref<32xi32, #tpu.memory_space<vmem>>
    %dma_start3A_303 = arith.constant 0 : i32
    %dma_start3A_304 = arith.constant 0 : i32
    %dma_start3A_305 = tpu.memref_slice %arg3[%dma_start3A_303, %dma_start3A_304] : memref<50257x768xf32, #tpu.memory_space<hbm>> -> memref<50257x768xf32, #tpu.memory_space<hbm>>
    tpu.enqueue_indirect_dma source(%dma_start3A_305 : memref<50257x768xf32, #tpu.memory_space<hbm>>) target(%arg9 : memref<32x768xf32, #tpu.memory_space<vmem>>) offsets(%dma_start3A_302 : memref<32xi32, #tpu.memory_space<vmem>>) semaphore(%arg13 : memref<!tpu.dma_semaphore, #tpu.memory_space<semaphore_mem>>)
    %dma_wait3A_306 = arith.constant 928 : i32
    %dma_wait3A_307 = tpu.memref_slice %arg5[%dma_wait3A_306] : memref<1024xi32, #tpu.memory_space<vmem>> -> memref<32xi32, #tpu.memory_space<vmem>>
    %dma_wait3A_308 = arith.constant 0 : i32
    %dma_wait3A_309 = arith.constant 0 : i32
    %dma_wait3A_310 = tpu.memref_slice %arg3[%dma_wait3A_308, %dma_wait3A_309] : memref<50257x768xf32, #tpu.memory_space<hbm>> -> memref<50257x768xf32, #tpu.memory_space<hbm>>
    tpu.wait_indirect_dma semaphore(%arg11 : memref<!tpu.dma_semaphore, #tpu.memory_space<semaphore_mem>>) src(%dma_wait3A_310 : memref<50257x768xf32, #tpu.memory_space<hbm>>) dst(%arg7 : memref<32x768xf32, #tpu.memory_space<vmem>>)
    %dma_wait3A_311 = arith.constant 960 : i32
    %dma_wait3A_312 = tpu.memref_slice %arg5[%dma_wait3A_311] : memref<1024xi32, #tpu.memory_space<vmem>> -> memref<32xi32, #tpu.memory_space<vmem>>
    %dma_wait3A_313 = arith.constant 0 : i32
    %dma_wait3A_314 = arith.constant 0 : i32
    %dma_wait3A_315 = tpu.memref_slice %arg3[%dma_wait3A_313, %dma_wait3A_314] : memref<50257x768xf32, #tpu.memory_space<hbm>> -> memref<50257x768xf32, #tpu.memory_space<hbm>>
    tpu.wait_indirect_dma semaphore(%arg12 : memref<!tpu.dma_semaphore, #tpu.memory_space<semaphore_mem>>) src(%dma_wait3A_315 : memref<50257x768xf32, #tpu.memory_space<hbm>>) dst(%arg8 : memref<32x768xf32, #tpu.memory_space<vmem>>)
    %dma_wait3A_316 = arith.constant 992 : i32
    %dma_wait3A_317 = tpu.memref_slice %arg5[%dma_wait3A_316] : memref<1024xi32, #tpu.memory_space<vmem>> -> memref<32xi32, #tpu.memory_space<vmem>>
    %dma_wait3A_318 = arith.constant 0 : i32
    %dma_wait3A_319 = arith.constant 0 : i32
    %dma_wait3A_320 = tpu.memref_slice %arg3[%dma_wait3A_318, %dma_wait3A_319] : memref<50257x768xf32, #tpu.memory_space<hbm>> -> memref<50257x768xf32, #tpu.memory_space<hbm>>
    tpu.wait_indirect_dma semaphore(%arg13 : memref<!tpu.dma_semaphore, #tpu.memory_space<semaphore_mem>>) src(%dma_wait3A_320 : memref<50257x768xf32, #tpu.memory_space<hbm>>) dst(%arg9 : memref<32x768xf32, #tpu.memory_space<vmem>>)
    %dma_start3A_321 = arith.constant 0 : i32
    %dma_start3A_322 = tpu.memref_slice %arg4[%mul3A_2, %dma_start3A_321] : memref<32768x768xf32, #tpu.memory_space<hbm>> -> memref<32x768xf32, #tpu.memory_space<hbm>>
    %dma_start3A_323 = arith.constant 0 : i32
    %dma_start3A_324 = tpu.memref_slice %arg4[%mul3A_2, %dma_start3A_323] : memref<32768x768xf32, #tpu.memory_space<hbm>> -> memref<32x768xf32, #tpu.memory_space<hbm>>
    tpu.enqueue_dma source(%arg6 : memref<32x768xf32, #tpu.memory_space<vmem>>) target(%dma_start3A_324 : memref<32x768xf32, #tpu.memory_space<hbm>>) target_semaphore(%arg14 : memref<!tpu.dma_semaphore, #tpu.memory_space<semaphore_mem>>)
    %dma_wait3A_325 = arith.constant 0 : i32
    %dma_wait3A_326 = tpu.memref_slice %arg4[%mul3A_2, %dma_wait3A_325] : memref<32768x768xf32, #tpu.memory_space<hbm>> -> memref<32x768xf32, #tpu.memory_space<hbm>>
    %dma_wait3A_327 = arith.constant 0 : i32
    %dma_wait3A_328 = tpu.memref_slice %arg4[%mul3A_2, %dma_wait3A_327] : memref<32768x768xf32, #tpu.memory_space<hbm>> -> memref<32x768xf32, #tpu.memory_space<hbm>>
    tpu.wait_dma2 semaphore(%arg14 : memref<!tpu.dma_semaphore, #tpu.memory_space<semaphore_mem>>) src(%arg6 : memref<32x768xf32, #tpu.memory_space<vmem>>) dst(%dma_wait3A_328 : memref<32x768xf32, #tpu.memory_space<hbm>>)
    return
  }
}

</mosaic_0001>

<sc_bundles>
// kernel: _embed_flat.3.cloned.1.call-start
scs
__scs_entry_jumppad:
0x0: {  	(pc) =	sbr.rel $0x88, $3  }
0x1: {  	(tag) =	ssettag $0x0;
	lr =	simm.s32 $0x1  }
0x2: {  	[smem:$0x3F9F] =	sst lr;
	_ =	strace $0xD0000000  }
0x3: {  	_ = 	snop  }
0x4: {  	_ = 	snop  }
0x5: {  	_ = 	snop  }
0x6: {  	_ = 	snop  }
0x7: {  	_ = 	snop  }
__scs_overlays_trampoline_lowered:
0x8: {  	[smem:$0x3FAE] =	sst s0  }
0x9: {  	[smem:$0x3FAF] =	sst s1  }
0xa: {  	[smem:$0x3FB0] =	sst s2  }
0xb: {  	[smem:$0x3FB1] =	sst s3  }
0xc: {  	[smem:$0x3FB2] =	sst s4  }
0xd: {  	[smem:$0x3FB3] =	sst s5  }
0xe: {  	[smem:$0x3FB4] =	sst s6  }
0xf: {  	[smem:$0x3FB5] =	sst s7  }
0x10: {  	[smem:$0x3FB6] =	sst s8  }
0x11: {  	[smem:$0x3FB7] =	sst s9;
	s0 =	simm.s32 @!p0 $0x0  }
0x12: {  	s1 =	sld [smem:$0x3F9D];
	s0 =	simm.s32 @p0 $0x1  }
0x13: {  	[smem:$0x3FB8] =	sst s0;
	s0 =	simm.s32 @!p1 $0x0  }
0x14: {  	s2 =	sld [smem:$0x3F9C];
	s0 =	simm.s32 @p1 $0x1  }
0x15: {  	[smem:$0x3FB9] =	sst s0;
	s0 =	simm.s32 @!p2 $0x0  }
0x16: {  	s3 =	sld [smem:$0x3FDB];
	s0 =	simm.s32 @p2 $0x1  }
0x17: {  	s4 =	simm.s32 $0x1BF5;
	[smem:$0x3FBB] =	sst s0  }
0x18: {  	s0 =	sld [smem:$0x3F9E];
	_ =	swait.ge [sflag:s4], $0x0  }
0x19: {  	s7 =	sld [smem:$0x3F9F]  }
0x1a: {  	s8 =	sadd.s32 $0xFFFFE003, lr  }
0x1b: {  	s9 =	sadd.s32 $0xFFFFFEF7, lr;
	s5 =	simm.s32 $0xFFFFFFFF;
	p2 =	slt.u32 s8, $0xFFFFF086  }
0x1c: {  	p1 =	slt.u32 s9, $0xF7A;
	s5 =	simm.s32 @!p2 $0x0  }
0x1d: {  	s5 =	simm.s32 @p1 $0x1;
	p0 =	seq.s32 s7, s2  }
0x1e: {  	s7 =	smul.u32 @!p0 $0xF7A, s2;
	p2 =	seq.s32 @!p0 s5, $0x0  }
0x1f: {  	s9 =	smul.u32 $0xF7A, s1;
	s8 =	simm.s32 @!p0 $0x1BF5;
	p2 =	por !p2, p0  }
0x20: {  	[sflag:s8] =	ssyncset.s32 @!p0 $0xFFFFF086;
	s6 =	sadd.s32 @!p0 s3, s7;
	s7 =	simm.s32 @!p0 $0x108  }
0x21: {  	s3 =	sadd.s32 s3, s9;
	s6 =	sadd.s32 @!p0 $0x88, s6;
	s7 =	simm.s32 @p2 $0x1082  }
0x22: {  	[simem:s7], [sflag:s8] =	dma.local @!p0 [hbm:s6], $0xF7A  }
0x23: {  	s9 =	sor.u32 $0xD0000000, s2;
	s6 =	simm.s32 $0x108;
	_ =	swait.ge @!p0 [sflag:s8], $0x0  }
0x24: {  	s3 =	sadd.s32 $0x88, s3;
	s6 =	simm.s32 @!p1 $0x1082;
	[sflag:s4] =	ssyncset.s32 $0xFFFFF086  }
0x25: {  	[simem:s6], [sflag:s4] =	dma.local [hbm:s3], $0xF7A  }
0x26: {  	[smem:$0x3F9F] =	sst s1;
	(tag) =	ssettag s2;
	_ =	strace s9  }
0x27: {  	s1 =	sld [smem:$0x3FAF]  }
0x28: {  	s2 =	sld [smem:$0x3FB0]  }
0x29: {  	s4 =	sld [smem:$0x3FB2]  }
0x2a: {  	p0 =	seq.s32 s5, $0x0;
	s5 =	sld [smem:$0x3FB3]  }
0x2b: {  	s6 =	sld [smem:$0x3FB4]  }
0x2c: {  	s7 =	sld [smem:$0x3FB5]  }
0x2d: {  	s3 =	simm.s32 $0x108;
	s8 =	sld [smem:$0x3FB6]  }
0x2e: {  	s3 =	simm.s32 @!p0 $0x1082;
	s9 =	sld [smem:$0x3FB7]  }
0x2f: {  	lr =	sadd.s32 s0, s3;
	s0 =	sld [smem:$0x3FAE]  }
0x30: {  	s3 =	sld [smem:$0x3FB1]  }
0x31: {  	[smem:$0x3FBA] =	sst s10  }
0x32: {  	s10 =	sld [smem:$0x3FB8];
	_ =	sdelay $0x3  }
0x33: {  	p0 =	seq.s32 s10, $0x1;
	s10 =	sld [smem:$0x3FBA];
	_ =	sdelay $0x3  }
0x34: {  	[smem:$0x3FBA] =	sst s10  }
0x35: {  	s10 =	sld [smem:$0x3FB9];
	_ =	sdelay $0x3  }
0x36: {  	p1 =	seq.s32 s10, $0x1;
	s10 =	sld [smem:$0x3FBA];
	_ =	sdelay $0x3  }
0x37: {  	[smem:$0x3FBA] =	sst s10  }
0x38: {  	s10 =	sld [smem:$0x3FBB]  }
0x39: {  	_ = 	snop;
	(pc) =	sbr.ind lr, $3  }
0x3a: {  	_ = 	snop  }
0x3b: {  	_ = 	snop  }
0x3c: {  	p2 =	seq.s32 s10, $0x1;
	s10 =	sld [smem:$0x3FBA]  }
0x3d: {  	_ =	shalt  }
0x3e: {  	_ =	shalt  }
0x3f: {  	_ =	shalt  }
0x40: {  	_ =	shalt  }
0x41: {  	_ =	shalt  }
0x42: {  	_ =	shalt  }
0x43: {  	_ =	shalt  }
0x44: {  	_ =	shalt  }
0x45: {  	_ =	shalt  }
0x46: {  	_ =	shalt  }
0x47: {  	_ =	shalt  }
0x48: {  	_ =	shalt  }
0x49: {  	_ =	shalt  }
0x4a: {  	_ =	shalt  }
0x4b: {  	_ =	shalt  }
0x4c: {  	_ =	shalt  }
0x4d: {  	_ =	shalt  }
0x4e: {  	_ =	shalt  }
0x4f: {  	_ =	shalt  }
0x50: {  	_ =	shalt  }
0x51: {  	_ =	shalt  }
0x52: {  	_ =	shalt  }
0x53: {  	_ =	shalt  }
0x54: {  	_ =	shalt  }
0x55: {  	_ =	shalt  }
0x56: {  	_ =	shalt  }
0x57: {  	_ =	shalt  }
0x58: {  	_ =	shalt  }
0x59: {  	_ =	shalt  }
0x5a: {  	_ =	shalt  }
0x5b: {  	_ =	shalt  }
0x5c: {  	_ =	shalt  }
0x5d: {  	_ =	shalt  }
0x5e: {  	_ =	shalt  }
0x5f: {  	_ =	shalt  }
0x60: {  	_ =	shalt  }
0x61: {  	_ =	shalt  }
0x62: {  	_ =	shalt  }
0x63: {  	_ =	shalt  }
0x64: {  	_ =	shalt  }
0x65: {  	_ =	shalt  }
0x66: {  	_ =	shalt  }
0x67: {  	_ =	shalt  }
0x68: {  	_ =	shalt  }
0x69: {  	_ =	shalt  }
0x6a: {  	_ =	shalt  }
0x6b: {  	_ =	shalt  }
0x6c: {  	_ =	shalt  }
0x6d: {  	_ =	shalt  }
0x6e: {  	_ =	shalt  }
0x6f: {  	_ =	shalt  }
0x70: {  	_ =	shalt  }
0x71: {  	_ =	shalt  }
0x72: {  	_ =	shalt  }
0x73: {  	_ =	shalt  }
0x74: {  	_ =	shalt  }
0x75: {  	_ =	shalt  }
0x76: {  	_ =	shalt  }
0x77: {  	_ =	shalt  }
0x78: {  	_ =	shalt  }
0x79: {  	_ =	shalt  }
0x7a: {  	_ =	shalt  }
0x7b: {  	_ =	shalt  }
0x7c: {  	_ =	shalt  }
0x7d: {  	_ =	shalt  }
0x7e: {  	_ =	shalt  }
0x7f: {  	_ =	shalt  }
0x80: {  	_ =	shalt  }
0x81: {  	_ =	shalt  }
0x82: {  	_ =	shalt  }
0x83: {  	_ =	shalt  }
0x84: {  	_ =	shalt  }
0x85: {  	_ =	shalt  }
0x86: {  	_ =	shalt  }
0x87: {  	_ =	shalt  }
.Lfunc_end0:
.L_simem_size_0:
called_computation_lowered:
.L_overlay_start_0:
0x88: {  	s2 =	sld [smem:$0x3FD9]  }
0x89: {  	s3 =	sld [smem:$0x3FFE];
	_ =	sdelay $0x1  }
0x8a: {  	s1 =	srdreg.scid  }
0x8b: {  	s0 =	sand.u32 $0x1, s1  }
0x8c: {  	s18 =	sshll.u32 s0, $0xA;
	s2 =	sadd.s32 s3, s2  }
0x8d: {  	s2 =	sadd.s32 s2, s18  }
0x8e: {  	[smem:$0x3FC6] =	sst s2  }
0x8f: {  	_ = 	snop  }
0x90: {  	s2 =	sld [smem:$0x3FC9]  }
0x91: {  	s19 =	sld [smem:$0x3FC8]  }
0x92: {  	s4 =	sld [smem:$0x3FD0];
	(tm) =	ssettm $0x1  }
0x93: {  	s5 =	sld [smem:$0x3FFB];
	_ =	sdelay $0x3  }
0x94: {  	_ =	strace s5  }
0x95: {  	s5 =	sld [smem:$0x3FFC];
	_ =	sdelay $0x3  }
0x96: {  	_ =	strace s5  }
0x97: {  	s5 =	sld [smem:$0x3FFD];
	_ =	sdelay $0x3  }
0x98: {  	_ =	strace s5  }
0x99: {  	_ =	strace $0x8FFFFFFF  }
0x9a: {  	s20 =	sld [smem:$0x3FDB];
	_ =	sdelay $0x1  }
0x9b: {  	s6 =	simm.s32 $_scs_section_size  }
0x9c: {  	s7 =	simm.s32 $_size__tile_overlayer_lowered;
	s8 =	simm.s32 $_tile_overlayer_lowered  }
0x9d: {  	s23 =	simm.s32 $0x1BFF;
	s22 =	sshll.u32 s8, $0x1;
	s5 =	sadd.s32 s6, s20  }
0x9e: {  	s9 =	simm.s32 $0x0;
	s21 =	sshll.u32 s7, $0x1;
	s7 =	sadd.s32 s22, s5  }
0x9f: {  	[timem:s9], [sflag:s23] =	dma.local [hbm:s7], s21  }
0xa0: {  	_ =	swait.ge [sflag:s23], s21  }
0xa1: {  	s6 =	ssub.s32 $0x0, s21;
	[sflag:s23] =	ssyncset.done $0x0  }
0xa2: {  	[sflag:s23] =	ssyncadd.s32 s6;
	_ =	sdelay $0x1  }
0xa3: {  	s24 =	simm.s32 $0x1B8B  }
0xa4: {  	_ =	swait.ge [sflag:s24], $0x1  }
0xa5: {  	[sflag:s24] =	ssyncset.done $0x0  }
0xa6: {  	s25 =	simm.s32 $0x1B8E;
	[sflag:s24] =	ssyncadd.s32 $0xFFFFFFFF  }
0xa7: {  	s26 =	simm.s32 $execute0_lowered;
	[smem:$0x3FD2] =	sst s25  }
0xa8: {  	s6 =	sshll.u32 s26, $0x1;
	_ =	strace $0x80000046;
	[dreg:$0x1] =	wrdreg $0xFFFFFFFF  }
0xa9: {  	s28 =	simm.s32 $_size_execute0_lowered;
	s5 =	sadd.s32 s5, s6;
	[dreg:$0x0] =	wrdreg $0x0  }
0xaa: {  	s6 =	sshll.u32 s28, $0x1;
	[dreg:$0x2] =	wrdreg s5  }
0xab: {  	[dreg:$0x3] =	wrdreg s6  }
0xac: {  	[dreg:$0x4] =	wrdreg $0xC0  }
0xad: {  	_ =	task [dreg:s9], $0x5FFFF  }
0xae: {  	[dreg:$0x1] =	wrdreg $0xFFFFFFFF  }
0xaf: {  	[dreg:$0x0] =	wrdreg $0x60  }
0xb0: {  	[dreg:$0x2] =	wrdreg s2  }
0xb1: {  	[dreg:$0x3] =	wrdreg s19  }
0xb2: {  	[dreg:$0x4] =	wrdreg s4  }
0xb3: {  	[dreg:$0x5] =	wrdreg $0x9  }
0xb4: {  	_ =	task.clear_ibuf [dreg:s9], $0x6FFFF;
	_ =	strace $0x90000046  }
0xb5: {  	s29 =	simm.s32 $0x9;
	_ =	strace $0x80000048  }
0xb6: {  	_ =	swait.ge [sflag:s29], $0x1  }
0xb7: {  	[sflag:s29] =	ssyncadd.s32 $0xFFFFFFFF  }
0xb8: {  	_ =	strace $0x90000048  }
0xb9: {  	_ =	sfence  }
0xba: {  	s30 =	sld [smem:$0x0];
	_ =	sdelay $0x2  }
0xbb: {  	s31 =	sshll.u32 s1, $0xD;
	s1 =	sshrl.u32 s1, $0x2  }
0xbc: {  	s3 =	sand.u32 $0x4000, s31;
	s1 =	sadd.s32 s1, s30  }
0xbd: {  	s0 =	sor.u32 s3, s0;
	s1 =	sshll.u32 s1, $0x11  }
0xbe: {  	s0 =	sor.u32 s1, s0  }
0xbf: {  	s0 =	sadd.s32 $0x8F2B, s0  }
0xc0: {  	[sflag:s0] =	ssyncadd.remote.s32 $0x1  }
0xc1: {  	_ =	sfence.sel $0xFFFF  }
0xc2: {  	[dreg:$0x0] =	wrdreg $0xFFFFFFFF;
	(pc) =	sbr.abs _section_cstart, $3  }
0xc3: {  	[dreg:$0x1] =	wrdreg $0xFFFFFFFF  }
0xc4: {  	_ =	task.clear_ibuf [dreg:s9], $0x2FFFF;
	_ =	strace $0x9FFFFFFF  }
0xc5: {  	(tm) =	ssettm $0x7FFFFFFF  }
tec
execute0_lowered:
.L_overlay_start_1:
0x0: {  	(tag) =	ssettag $0x1  }
0x1: {  	s0 =	rddreg [dreg:$0x0]  }
0x2: {  	s2 =	rddreg [dreg:$0x1];
	s1 =	srdreg.scid  }
0x3: {  	s5 =	rddreg [dreg:$0x2];
	s3 =	stileid.u32;
	s19 =	simm.s32 $0x1  }
0x4: {  	s9 =	simm.s32 $0x4;
	s1 =	sand.u32 $0x1, s1;
	s4 =	sshll.u32 s3, $0x8  }
0x5: {  	s3 =	simm.s32 $0x0;
	s6 =	sshll.u32 s1, $0x7;
	s1 =	ssub.s32 $0x2, s1  }
0x6: {  	[smem:$0x7FF] =	sst s3;
	s4 =	sor.u32 s6, s4;
	s30 =	sshrl.u32 s1, $0x1  }
0x7: {  	_ =	strace $0x80000047;
	s7 =	smul.u32 $0x300, s4;
	s0 =	sadd.s32 s0, s4  }
0x8: {  	v2 =	vlaneseq.u32;
	s1 =	ssub.s32 s1, s30;
	s4 =	sadd.s32 $0x100, s2;
	[dreg:$0x4] =	wrdreg s0  }
0x9: {  	vm0 =	vmmov $0xffff;
	v1 =	vshrl.u32 v2, $0x3;
	s6 =	smax.u32 s1, $0x1;
	s1 =	simm.s32 $0x2;
	s31 =	sadd.s32 s5, s7  }
0xa: {  	v0 =	vand.u32 $0x7, v2;
	v2 =	vor.u32 $0x8, v2;
	v1 =	vmul.u32 $0x8, v1;
	s5 =	sadd.s32 $0x200, s2;
	s7 =	simm.s32 $0x3;
	[dreg:$0x5] =	wrdreg s31  }
.LBB2_1:
0xb: {  	[dreg:$0x6] =	wrdreg s6  }
0xc: {  	s10 =	rddreg [dreg:$0x4];
	s25 =	simm.s32 $0x6  }
0xd: {  	[tilespmem:s3], [sflag:$0x6] =	stream.linear.gather [hbm4b:s10+s3], $0x400, $0x38;
	[tilespmem:$0x18400] =	vst v63  }
0xe: {  	_ =	swait.ge [sflag:s25], $0x400  }
0xf: {  	[sflag:s25] =	ssyncset.done $0x0  }
0x10: {  	[sflag:s25] =	ssyncadd.s32 $0xFFFFFC00  }
0x11: {  	v3 =	vld [tilespmem:$0x0];
	_ =	sdelay $0x4  }
0x12: {  	v4 =	vshrl.u32 v3, $0x3  }
0x13: {  	v4 =	vmul.u32 $0x30, v4  }
0x14: {  	v3 =	vand.u32 $0x7, v3  }
0x15: {  	v3 =	vor.u32 v3, v4  }
0x16: {  	v4 =	vperm.xlane v3, v0;
	_ =	sdelay $0x1  }
0x17: {  	v4 =	vadd.s32 v1, v4;
	_ =	sdelay $0x3  }
0x18: {  	s0 =	simm.s32 $0x400;
	v3 =	vperm.xlane v3, v2  }
0x19: {  	[tilespmem:s0], [sflag:$0x1] =	stream.indirect_vreg.gather [hbm4b:s2+s3], $0x80, v4, vm0, $0xb8;
	[tilespmem:$0x18400] =	vst v63  }
0x1a: {  	s26 =	simm.s32 $0xC00;
	v3 =	vadd.s32 v1, v3  }
0x1b: {  	[tilespmem:s26], [sflag:$0x1] =	stream.indirect_vreg.gather [hbm4b:s4+s3], $0x80, v4, vm0, $0xb8;
	[tilespmem:$0x18400] =	vst v63  }
0x1c: {  	s28 =	simm.s32 $0x1400  }
0x1d: {  	[tilespmem:s28], [sflag:$0x1] =	stream.indirect_vreg.gather [hbm4b:s5+s3], $0x80, v4, vm0, $0xb8;
	[tilespmem:$0x18400] =	vst v63  }
0x1e: {  	s29 =	simm.s32 $0x1C00  }
0x1f: {  	[tilespmem:s29], [sflag:$0x1] =	stream.indirect_vreg.gather [hbm4b:s2+s3], $0x80, v3, vm0, $0xb8;
	[tilespmem:$0x18400] =	vst v63  }
0x20: {  	s30 =	simm.s32 $0x2400  }
0x21: {  	[tilespmem:s30], [sflag:$0x1] =	stream.indirect_vreg.gather [hbm4b:s4+s3], $0x80, v3, vm0, $0xb8;
	[tilespmem:$0x18400] =	vst v63  }
0x22: {  	s31 =	simm.s32 $0x2C00  }
0x23: {  	[tilespmem:s31], [sflag:$0x1] =	stream.indirect_vreg.gather [hbm4b:s5+s3], $0x80, v3, vm0, $0xb8;
	[tilespmem:$0x18400] =	vst v63  }
0x24: {  	v3 =	vld [tilespmem:$0x10];
	_ =	sdelay $0x4  }
0x25: {  	v57 =	vshrl.u32 v3, $0x3  }
0x26: {  	v4 =	vmul.u32 $0x30, v57  }
0x27: {  	v3 =	vand.u32 $0x7, v3  }
0x28: {  	v3 =	vor.u32 v3, v4  }
0x29: {  	v4 =	vperm.xlane v3, v0;
	_ =	sdelay $0x1  }
0x2a: {  	v4 =	vadd.s32 v1, v4;
	_ =	sdelay $0x3  }
0x2b: {  	s8 =	simm.s32 $0x3400;
	v3 =	vperm.xlane v3, v2  }
0x2c: {  	[tilespmem:s8], [sflag:$0x1] =	stream.indirect_vreg.gather [hbm4b:s2+s3], $0x80, v4, vm0, $0xb8;
	[tilespmem:$0x18400] =	vst v63  }
0x2d: {  	s10 =	simm.s32 $0x3C00;
	v3 =	vadd.s32 v1, v3  }
0x2e: {  	[tilespmem:s10], [sflag:$0x1] =	stream.indirect_vreg.gather [hbm4b:s4+s3], $0x80, v4, vm0, $0xb8;
	[tilespmem:$0x18400] =	vst v63  }
0x2f: {  	s11 =	simm.s32 $0x4400  }
0x30: {  	[tilespmem:s11], [sflag:$0x1] =	stream.indirect_vreg.gather [hbm4b:s5+s3], $0x80, v4, vm0, $0xb8;
	[tilespmem:$0x18400] =	vst v63  }
0x31: {  	s12 =	simm.s32 $0x4C00  }
0x32: {  	[tilespmem:s12], [sflag:$0x1] =	stream.indirect_vreg.gather [hbm4b:s2+s3], $0x80, v3, vm0, $0xb8;
	[tilespmem:$0x18400] =	vst v63  }
0x33: {  	s13 =	simm.s32 $0x5400  }
0x34: {  	[tilespmem:s13], [sflag:$0x1] =	stream.indirect_vreg.gather [hbm4b:s4+s3], $0x80, v3, vm0, $0xb8;
	[tilespmem:$0x18400] =	vst v63  }
0x35: {  	s14 =	simm.s32 $0x5C00  }
0x36: {  	[tilespmem:s14], [sflag:$0x1] =	stream.indirect_vreg.gather [hbm4b:s5+s3], $0x80, v3, vm0, $0xb8;
	[tilespmem:$0x18400] =	vst v63  }
0x37: {  	v3 =	vld [tilespmem:$0x20];
	_ =	sdelay $0x4  }
0x38: {  	v58 =	vshrl.u32 v3, $0x3  }
0x39: {  	v4 =	vmul.u32 $0x30, v58  }
0x3a: {  	v3 =	vand.u32 $0x7, v3  }
0x3b: {  	v3 =	vor.u32 v3, v4  }
0x3c: {  	v4 =	vperm.xlane v3, v0;
	_ =	sdelay $0x1  }
0x3d: {  	v4 =	vadd.s32 v1, v4;
	_ =	sdelay $0x3  }
0x3e: {  	s15 =	simm.s32 $0x6400;
	v3 =	vperm.xlane v3, v2  }
0x3f: {  	[tilespmem:s15], [sflag:$0x2] =	stream.indirect_vreg.gather [hbm4b:s2+s3], $0x80, v4, vm0, $0xb8;
	[tilespmem:$0x18400] =	vst v63  }
0x40: {  	s16 =	simm.s32 $0x6C00;
	v3 =	vadd.s32 v1, v3  }
0x41: {  	[tilespmem:s16], [sflag:$0x2] =	stream.indirect_vreg.gather [hbm4b:s4+s3], $0x80, v4, vm0, $0xb8;
	[tilespmem:$0x18400] =	vst v63  }
0x42: {  	s17 =	simm.s32 $0x7400  }
0x43: {  	[tilespmem:s17], [sflag:$0x2] =	stream.indirect_vreg.gather [hbm4b:s5+s3], $0x80, v4, vm0, $0xb8;
	[tilespmem:$0x18400] =	vst v63  }
0x44: {  	s18 =	simm.s32 $0x7C00  }
0x45: {  	[tilespmem:s18], [sflag:$0x2] =	stream.indirect_vreg.gather [hbm4b:s2+s3], $0x80, v3, vm0, $0xb8;
	[tilespmem:$0x18400] =	vst v63  }
0x46: {  	s20 =	simm.s32 $0x8400  }
0x47: {  	[tilespmem:s20], [sflag:$0x2] =	stream.indirect_vreg.gather [hbm4b:s4+s3], $0x80, v3, vm0, $0xb8;
	[tilespmem:$0x18400] =	vst v63  }
0x48: {  	s28 =	simm.s32 $0x8C00  }
0x49: {  	[tilespmem:s28], [sflag:$0x2] =	stream.indirect_vreg.gather [hbm4b:s5+s3], $0x80, v3, vm0, $0xb8;
	[tilespmem:$0x18400] =	vst v63  }
0x4a: {  	v3 =	vld [tilespmem:$0x30];
	_ =	sdelay $0x4  }
0x4b: {  	v59 =	vshrl.u32 v3, $0x3  }
0x4c: {  	v4 =	vmul.u32 $0x30, v59  }
0x4d: {  	v3 =	vand.u32 $0x7, v3  }
0x4e: {  	v3 =	vor.u32 v3, v4  }
0x4f: {  	v4 =	vperm.xlane v3, v0;
	_ =	sdelay $0x1  }
0x50: {  	v4 =	vadd.s32 v1, v4;
	_ =	sdelay $0x3  }
0x51: {  	s29 =	simm.s32 $0x9400;
	v3 =	vperm.xlane v3, v2  }
0x52: {  	[tilespmem:s29], [sflag:$0x2] =	stream.indirect_vreg.gather [hbm4b:s2+s3], $0x80, v4, vm0, $0xb8;
	[tilespmem:$0x18400] =	vst v63  }
0x53: {  	s8 =	simm.s32 $0x9C00;
	v3 =	vadd.s32 v1, v3  }
0x54: {  	[tilespmem:s8], [sflag:$0x2] =	stream.indirect_vreg.gather [hbm4b:s4+s3], $0x80, v4, vm0, $0xb8;
	[tilespmem:$0x18400] =	vst v63  }
0x55: {  	s10 =	simm.s32 $0xA400  }
0x56: {  	[tilespmem:s10], [sflag:$0x2] =	stream.indirect_vreg.gather [hbm4b:s5+s3], $0x80, v4, vm0, $0xb8;
	[tilespmem:$0x18400] =	vst v63  }
0x57: {  	s11 =	simm.s32 $0xAC00  }
0x58: {  	[tilespmem:s11], [sflag:$0x2] =	stream.indirect_vreg.gather [hbm4b:s2+s3], $0x80, v3, vm0, $0xb8;
	[tilespmem:$0x18400] =	vst v63  }
0x59: {  	s12 =	simm.s32 $0xB400  }
0x5a: {  	[tilespmem:s12], [sflag:$0x2] =	stream.indirect_vreg.gather [hbm4b:s4+s3], $0x80, v3, vm0, $0xb8;
	[tilespmem:$0x18400] =	vst v63  }
0x5b: {  	s13 =	simm.s32 $0xBC00  }
0x5c: {  	[tilespmem:s13], [sflag:$0x2] =	stream.indirect_vreg.gather [hbm4b:s5+s3], $0x80, v3, vm0, $0xb8;
	[tilespmem:$0x18400] =	vst v63  }
0x5d: {  	v3 =	vld [tilespmem:$0x40];
	_ =	sdelay $0x4  }
0x5e: {  	v60 =	vshrl.u32 v3, $0x3  }
0x5f: {  	v4 =	vmul.u32 $0x30, v60  }
0x60: {  	v3 =	vand.u32 $0x7, v3  }
0x61: {  	v3 =	vor.u32 v3, v4  }
0x62: {  	v4 =	vperm.xlane v3, v0;
	_ =	sdelay $0x1  }
0x63: {  	v4 =	vadd.s32 v1, v4;
	_ =	sdelay $0x3  }
0x64: {  	s8 =	simm.s32 $0xC400;
	v3 =	vperm.xlane v3, v2  }
0x65: {  	[tilespmem:s8], [sflag:$0x3] =	stream.indirect_vreg.gather [hbm4b:s2+s3], $0x80, v4, vm0, $0xb8;
	[tilespmem:$0x18400] =	vst v63  }
0x66: {  	s14 =	simm.s32 $0xCC00;
	v3 =	vadd.s32 v1, v3  }
0x67: {  	[tilespmem:s14], [sflag:$0x3] =	stream.indirect_vreg.gather [hbm4b:s4+s3], $0x80, v4, vm0, $0xb8;
	[tilespmem:$0x18400] =	vst v63  }
0x68: {  	s15 =	simm.s32 $0xD400  }
0x69: {  	[tilespmem:s15], [sflag:$0x3] =	stream.indirect_vreg.gather [hbm4b:s5+s3], $0x80, v4, vm0, $0xb8;
	[tilespmem:$0x18400] =	vst v63  }
0x6a: {  	s16 =	simm.s32 $0xDC00  }
0x6b: {  	[tilespmem:s16], [sflag:$0x3] =	stream.indirect_vreg.gather [hbm4b:s2+s3], $0x80, v3, vm0, $0xb8;
	[tilespmem:$0x18400] =	vst v63  }
0x6c: {  	s17 =	simm.s32 $0xE400  }
0x6d: {  	[tilespmem:s17], [sflag:$0x3] =	stream.indirect_vreg.gather [hbm4b:s4+s3], $0x80, v3, vm0, $0xb8;
	[tilespmem:$0x18400] =	vst v63  }
0x6e: {  	s18 =	simm.s32 $0xEC00  }
0x6f: {  	[tilespmem:s18], [sflag:$0x3] =	stream.indirect_vreg.gather [hbm4b:s5+s3], $0x80, v3, vm0, $0xb8;
	[tilespmem:$0x18400] =	vst v63  }
0x70: {  	v3 =	vld [tilespmem:$0x50];
	_ =	sdelay $0x4  }
0x71: {  	v61 =	vshrl.u32 v3, $0x3  }
0x72: {  	v4 =	vmul.u32 $0x30, v61  }
0x73: {  	v3 =	vand.u32 $0x7, v3  }
0x74: {  	v3 =	vor.u32 v3, v4  }
0x75: {  	v4 =	vperm.xlane v3, v0;
	_ =	sdelay $0x1  }
0x76: {  	v4 =	vadd.s32 v1, v4;
	_ =	sdelay $0x3  }
0x77: {  	s20 =	simm.s32 $0xF400;
	v3 =	vperm.xlane v3, v2  }
0x78: {  	[tilespmem:s20], [sflag:$0x3] =	stream.indirect_vreg.gather [hbm4b:s2+s3], $0x80, v4, vm0, $0xb8;
	[tilespmem:$0x18400] =	vst v63  }
0x79: {  	s6 =	simm.s32 $0xFC00;
	v3 =	vadd.s32 v1, v3  }
0x7a: {  	[tilespmem:s6], [sflag:$0x3] =	stream.indirect_vreg.gather [hbm4b:s4+s3], $0x80, v4, vm0, $0xb8;
	[tilespmem:$0x18400] =	vst v63  }
0x7b: {  	s11 =	simm.s32 $0x10400  }
0x7c: {  	[tilespmem:s11], [sflag:$0x3] =	stream.indirect_vreg.gather [hbm4b:s5+s3], $0x80, v4, vm0, $0xb8;
	[tilespmem:$0x18400] =	vst v63  }
0x7d: {  	s12 =	simm.s32 $0x10C00  }
0x7e: {  	[tilespmem:s12], [sflag:$0x3] =	stream.indirect_vreg.gather [hbm4b:s2+s3], $0x80, v3, vm0, $0xb8;
	[tilespmem:$0x18400] =	vst v63  }
0x7f: {  	s13 =	simm.s32 $0x11400  }
0x80: {  	[tilespmem:s13], [sflag:$0x3] =	stream.indirect_vreg.gather [hbm4b:s4+s3], $0x80, v3, vm0, $0xb8;
	[tilespmem:$0x18400] =	vst v63  }
0x81: {  	s14 =	simm.s32 $0x11C00  }
0x82: {  	[tilespmem:s14], [sflag:$0x3] =	stream.indirect_vreg.gather [hbm4b:s5+s3], $0x80, v3, vm0, $0xb8;
	[tilespmem:$0x18400] =	vst v63  }
0x83: {  	_ =	swait.ge [sflag:s19], $0x6000  }
0x84: {  	[sflag:s19] =	ssyncset.done $0x0  }
0x85: {  	[sflag:s19] =	ssyncadd.s32 $0xFFFFA000  }
0x86: {  	v3 =	vld [tilespmem:$0x60];
	_ =	sdelay $0x4  }
0x87: {  	v62 =	vshrl.u32 v3, $0x3  }
0x88: {  	v4 =	vmul.u32 $0x30, v62  }
0x89: {  	v3 =	vand.u32 $0x7, v3  }
0x8a: {  	v3 =	vor.u32 v3, v4  }
0x8b: {  	v4 =	vperm.xlane v3, v0;
	_ =	sdelay $0x1  }
0x8c: {  	v4 =	vadd.s32 v1, v4;
	_ =	sdelay $0x3  }
0x8d: {  	s15 =	simm.s32 $0x12400;
	v3 =	vperm.xlane v3, v2  }
0x8e: {  	[tilespmem:s15], [sflag:$0x4] =	stream.indirect_vreg.gather [hbm4b:s2+s3], $0x80, v4, vm0, $0xb8;
	[tilespmem:$0x18400] =	vst v63  }
0x8f: {  	s16 =	simm.s32 $0x12C00;
	v3 =	vadd.s32 v1, v3  }
0x90: {  	[tilespmem:s16], [sflag:$0x4] =	stream.indirect_vreg.gather [hbm4b:s4+s3], $0x80, v4, vm0, $0xb8;
	[tilespmem:$0x18400] =	vst v63  }
0x91: {  	s20 =	simm.s32 $0x13400  }
0x92: {  	[tilespmem:s20], [sflag:$0x4] =	stream.indirect_vreg.gather [hbm4b:s5+s3], $0x80, v4, vm0, $0xb8;
	[tilespmem:$0x18400] =	vst v63  }
0x93: {  	s6 =	simm.s32 $0x13C00  }
0x94: {  	[tilespmem:s6], [sflag:$0x4] =	stream.indirect_vreg.gather [hbm4b:s2+s3], $0x80, v3, vm0, $0xb8;
	[tilespmem:$0x18400] =	vst v63  }
0x95: {  	s11 =	simm.s32 $0x14400  }
0x96: {  	[tilespmem:s11], [sflag:$0x4] =	stream.indirect_vreg.gather [hbm4b:s4+s3], $0x80, v3, vm0, $0xb8;
	[tilespmem:$0x18400] =	vst v63  }
0x97: {  	s15 =	simm.s32 $0x14C00  }
0x98: {  	[tilespmem:s15], [sflag:$0x4] =	stream.indirect_vreg.gather [hbm4b:s5+s3], $0x80, v3, vm0, $0xb8;
	[tilespmem:$0x18400] =	vst v63  }
0x99: {  	v3 =	vld [tilespmem:$0x70];
	_ =	sdelay $0x4  }
0x9a: {  	v63 =	vshrl.u32 v3, $0x3  }
0x9b: {  	v4 =	vmul.u32 $0x30, v63  }
0x9c: {  	v3 =	vand.u32 $0x7, v3  }
0x9d: {  	v3 =	vor.u32 v3, v4  }
0x9e: {  	v4 =	vperm.xlane v3, v0;
	_ =	sdelay $0x1  }
0x9f: {  	v4 =	vadd.s32 v1, v4;
	_ =	sdelay $0x3  }
0xa0: {  	s16 =	simm.s32 $0x15400;
	v3 =	vperm.xlane v3, v2  }
0xa1: {  	[tilespmem:s16], [sflag:$0x4] =	stream.indirect_vreg.gather [hbm4b:s2+s3], $0x80, v4, vm0, $0xb8;
	[tilespmem:$0x18400] =	vst v63  }
0xa2: {  	s6 =	simm.s32 $0x15C00;
	v3 =	vadd.s32 v1, v3  }
0xa3: {  	[tilespmem:s6], [sflag:$0x4] =	stream.indirect_vreg.gather [hbm4b:s4+s3], $0x80, v4, vm0, $0xb8;
	[tilespmem:$0x18400] =	vst v63  }
0xa4: {  	s11 =	simm.s32 $0x16400  }
0xa5: {  	[tilespmem:s11], [sflag:$0x4] =	stream.indirect_vreg.gather [hbm4b:s5+s3], $0x80, v4, vm0, $0xb8;
	[tilespmem:$0x18400] =	vst v63  }
0xa6: {  	s16 =	simm.s32 $0x16C00  }
0xa7: {  	[tilespmem:s16], [sflag:$0x4] =	stream.indirect_vreg.gather [hbm4b:s2+s3], $0x80, v3, vm0, $0xb8;
	[tilespmem:$0x18400] =	vst v63  }
0xa8: {  	s6 =	simm.s32 $0x17400  }
0xa9: {  	[tilespmem:s6], [sflag:$0x4] =	stream.indirect_vreg.gather [hbm4b:s4+s3], $0x80, v3, vm0, $0xb8;
	[tilespmem:$0x18400] =	vst v63  }
0xaa: {  	s11 =	simm.s32 $0x17C00  }
0xab: {  	[tilespmem:s11], [sflag:$0x4] =	stream.indirect_vreg.gather [hbm4b:s5+s3], $0x80, v3, vm0, $0xb8;
	[tilespmem:$0x18400] =	vst v63  }
0xac: {  	_ =	swait.ge [sflag:s1], $0x6000  }
0xad: {  	[sflag:s1] =	ssyncset.done $0x0  }
0xae: {  	[sflag:s1] =	ssyncadd.s32 $0xFFFFA000  }
0xaf: {  	v3 =	vld [tilespmem:$0x80];
	_ =	sdelay $0x4  }
0xb0: {  	v8 =	vshrl.u32 v3, $0x3  }
0xb1: {  	v4 =	vmul.u32 $0x30, v8  }
0xb2: {  	v3 =	vand.u32 $0x7, v3  }
0xb3: {  	v3 =	vor.u32 v3, v4  }
0xb4: {  	v4 =	vperm.xlane v3, v0;
	_ =	sdelay $0x1  }
0xb5: {  	v4 =	vadd.s32 v1, v4;
	_ =	sdelay $0x3  }
0xb6: {  	s0 =	simm.s32 $0x400;
	v3 =	vperm.xlane v3, v2  }
0xb7: {  	[tilespmem:s0], [sflag:$0x1] =	stream.indirect_vreg.gather [hbm4b:s2+s3], $0x80, v4, vm0, $0xb8;
	[tilespmem:$0x18400] =	vst v63  }
0xb8: {  	s21 =	simm.s32 $0xC00;
	v3 =	vadd.s32 v1, v3  }
0xb9: {  	[tilespmem:s21], [sflag:$0x1] =	stream.indirect_vreg.gather [hbm4b:s4+s3], $0x80, v4, vm0, $0xb8;
	[tilespmem:$0x18400] =	vst v63  }
0xba: {  	s24 =	simm.s32 $0x1400  }
0xbb: {  	[tilespmem:s24], [sflag:$0x1] =	stream.indirect_vreg.gather [hbm4b:s5+s3], $0x80, v4, vm0, $0xb8;
	[tilespmem:$0x18400] =	vst v63  }
0xbc: {  	s25 =	simm.s32 $0x1C00  }
0xbd: {  	[tilespmem:s25], [sflag:$0x1] =	stream.indirect_vreg.gather [hbm4b:s2+s3], $0x80, v3, vm0, $0xb8;
	[tilespmem:$0x18400] =	vst v63  }
0xbe: {  	s26 =	simm.s32 $0x2400  }
0xbf: {  	[tilespmem:s26], [sflag:$0x1] =	stream.indirect_vreg.gather [hbm4b:s4+s3], $0x80, v3, vm0, $0xb8;
	[tilespmem:$0x18400] =	vst v63  }
0xc0: {  	s6 =	simm.s32 $0x2C00  }
0xc1: {  	[tilespmem:s6], [sflag:$0x1] =	stream.indirect_vreg.gather [hbm4b:s5+s3], $0x80, v3, vm0, $0xb8;
	[tilespmem:$0x18400] =	vst v63  }
0xc2: {  	v3 =	vld [tilespmem:$0x90];
	_ =	sdelay $0x4  }
0xc3: {  	v9 =	vshrl.u32 v3, $0x3  }
0xc4: {  	v4 =	vmul.u32 $0x30, v9  }
0xc5: {  	v3 =	vand.u32 $0x7, v3  }
0xc6: {  	v3 =	vor.u32 v3, v4  }
0xc7: {  	v4 =	vperm.xlane v3, v0;
	_ =	sdelay $0x1  }
0xc8: {  	v4 =	vadd.s32 v1, v4;
	_ =	sdelay $0x3  }
0xc9: {  	s21 =	simm.s32 $0x3400;
	v3 =	vperm.xlane v3, v2  }
0xca: {  	[tilespmem:s21], [sflag:$0x1] =	stream.indirect_vreg.gather [hbm4b:s2+s3], $0x80, v4, vm0, $0xb8;
	[tilespmem:$0x18400] =	vst v63  }
0xcb: {  	s30 =	simm.s32 $0x3C00;
	v3 =	vadd.s32 v1, v3  }
0xcc: {  	[tilespmem:s30], [sflag:$0x1] =	stream.indirect_vreg.gather [hbm4b:s4+s3], $0x80, v4, vm0, $0xb8;
	[tilespmem:$0x18400] =	vst v63  }
0xcd: {  	s31 =	simm.s32 $0x4400  }
0xce: {  	[tilespmem:s31], [sflag:$0x1] =	stream.indirect_vreg.gather [hbm4b:s5+s3], $0x80, v4, vm0, $0xb8;
	[tilespmem:$0x18400] =	vst v63  }
0xcf: {  	s0 =	simm.s32 $0x4C00  }
0xd0: {  	[tilespmem:s0], [sflag:$0x1] =	stream.indirect_vreg.gather [hbm4b:s2+s3], $0x80, v3, vm0, $0xb8;
	[tilespmem:$0x18400] =	vst v63  }
0xd1: {  	s22 =	simm.s32 $0x5400  }
0xd2: {  	[tilespmem:s22], [sflag:$0x1] =	stream.indirect_vreg.gather [hbm4b:s4+s3], $0x80, v3, vm0, $0xb8;
	[tilespmem:$0x18400] =	vst v63  }
0xd3: {  	s8 =	simm.s32 $0x5C00  }
0xd4: {  	[tilespmem:s8], [sflag:$0x1] =	stream.indirect_vreg.gather [hbm4b:s5+s3], $0x80, v3, vm0, $0xb8;
	[tilespmem:$0x18400] =	vst v63  }
0xd5: {  	_ =	swait.ge [sflag:s7], $0x6000  }
0xd6: {  	[sflag:s7] =	ssyncset.done $0x0  }
0xd7: {  	[sflag:s7] =	ssyncadd.s32 $0xFFFFA000  }
0xd8: {  	v3 =	vld [tilespmem:$0xA0];
	_ =	sdelay $0x4  }
0xd9: {  	v10 =	vshrl.u32 v3, $0x3  }
0xda: {  	v4 =	vmul.u32 $0x30, v10  }
0xdb: {  	v3 =	vand.u32 $0x7, v3  }
0xdc: {  	v3 =	vor.u32 v3, v4  }
0xdd: {  	v4 =	vperm.xlane v3, v0;
	_ =	sdelay $0x1  }
0xde: {  	v4 =	vadd.s32 v1, v4;
	_ =	sdelay $0x3  }
0xdf: {  	s23 =	simm.s32 $0x6400;
	v3 =	vperm.xlane v3, v2  }
0xe0: {  	[tilespmem:s23], [sflag:$0x2] =	stream.indirect_vreg.gather [hbm4b:s2+s3], $0x80, v4, vm0, $0xb8;
	[tilespmem:$0x18400] =	vst v63  }
0xe1: {  	v3 =	vadd.s32 v1, v3;
	s23 =	simm.s32 $0x6C00  }
0xe2: {  	[tilespmem:s23], [sflag:$0x2] =	stream.indirect_vreg.gather [hbm4b:s4+s3], $0x80, v4, vm0, $0xb8;
	[tilespmem:$0x18400] =	vst v63  }
0xe3: {  	s24 =	simm.s32 $0x7400  }
0xe4: {  	[tilespmem:s24], [sflag:$0x2] =	stream.indirect_vreg.gather [hbm4b:s5+s3], $0x80, v4, vm0, $0xb8;
	[tilespmem:$0x18400] =	vst v63  }
0xe5: {  	s25 =	simm.s32 $0x7C00  }
0xe6: {  	[tilespmem:s25], [sflag:$0x2] =	stream.indirect_vreg.gather [hbm4b:s2+s3], $0x80, v3, vm0, $0xb8;
	[tilespmem:$0x18400] =	vst v63  }
0xe7: {  	s26 =	simm.s32 $0x8400  }
0xe8: {  	[tilespmem:s26], [sflag:$0x2] =	stream.indirect_vreg.gather [hbm4b:s4+s3], $0x80, v3, vm0, $0xb8;
	[tilespmem:$0x18400] =	vst v63  }
0xe9: {  	s28 =	simm.s32 $0x8C00  }
0xea: {  	[tilespmem:s28], [sflag:$0x2] =	stream.indirect_vreg.gather [hbm4b:s5+s3], $0x80, v3, vm0, $0xb8;
	[tilespmem:$0x18400] =	vst v63  }
0xeb: {  	v3 =	vld [tilespmem:$0xB0];
	_ =	sdelay $0x4  }
0xec: {  	v11 =	vshrl.u32 v3, $0x3  }
0xed: {  	v4 =	vmul.u32 $0x30, v11  }
0xee: {  	v3 =	vand.u32 $0x7, v3  }
0xef: {  	v3 =	vor.u32 v3, v4  }
0xf0: {  	v4 =	vperm.xlane v3, v0;
	_ =	sdelay $0x1  }
0xf1: {  	v4 =	vadd.s32 v1, v4;
	_ =	sdelay $0x3  }
0xf2: {  	s29 =	simm.s32 $0x9400;
	v3 =	vperm.xlane v3, v2  }
0xf3: {  	[tilespmem:s29], [sflag:$0x2] =	stream.indirect_vreg.gather [hbm4b:s2+s3], $0x80, v4, vm0, $0xb8;
	[tilespmem:$0x18400] =	vst v63  }
0xf4: {  	s28 =	simm.s32 $0x9C00;
	v3 =	vadd.s32 v1, v3  }
0xf5: {  	[tilespmem:s28], [sflag:$0x2] =	stream.indirect_vreg.gather [hbm4b:s4+s3], $0x80, v4, vm0, $0xb8;
	[tilespmem:$0x18400] =	vst v63  }
0xf6: {  	s29 =	simm.s32 $0xA400  }
0xf7: {  	[tilespmem:s29], [sflag:$0x2] =	stream.indirect_vreg.gather [hbm4b:s5+s3], $0x80, v4, vm0, $0xb8;
	[tilespmem:$0x18400] =	vst v63  }
0xf8: {  	s30 =	simm.s32 $0xAC00  }
0xf9: {  	[tilespmem:s30], [sflag:$0x2] =	stream.indirect_vreg.gather [hbm4b:s2+s3], $0x80, v3, vm0, $0xb8;
	[tilespmem:$0x18400] =	vst v63  }
0xfa: {  	s31 =	simm.s32 $0xB400  }
0xfb: {  	[tilespmem:s31], [sflag:$0x2] =	stream.indirect_vreg.gather [hbm4b:s4+s3], $0x80, v3, vm0, $0xb8;
	[tilespmem:$0x18400] =	vst v63  }
0xfc: {  	s21 =	simm.s32 $0xBC00  }
0xfd: {  	[tilespmem:s21], [sflag:$0x2] =	stream.indirect_vreg.gather [hbm4b:s5+s3], $0x80, v3, vm0, $0xb8;
	[tilespmem:$0x18400] =	vst v63  }
0xfe: {  	_ =	swait.ge [sflag:s9], $0x6000  }
0xff: {  	[sflag:s9] =	ssyncset.done $0x0  }
0x100: {  	[sflag:s9] =	ssyncadd.s32 $0xFFFFA000  }
0x101: {  	v3 =	vld [tilespmem:$0xC0];
	_ =	sdelay $0x4  }
0x102: {  	v12 =	vshrl.u32 v3, $0x3  }
0x103: {  	v4 =	vmul.u32 $0x30, v12  }
0x104: {  	v3 =	vand.u32 $0x7, v3  }
0x105: {  	v3 =	vor.u32 v3, v4  }
0x106: {  	v4 =	vperm.xlane v3, v0;
	_ =	sdelay $0x1  }
0x107: {  	v4 =	vadd.s32 v1, v4;
	_ =	sdelay $0x3  }
0x108: {  	s10 =	simm.s32 $0xC400;
	v3 =	vperm.xlane v3, v2  }
0x109: {  	[tilespmem:s10], [sflag:$0x3] =	stream.indirect_vreg.gather [hbm4b:s2+s3], $0x80, v4, vm0, $0xb8;
	[tilespmem:$0x18400] =	vst v63  }
0x10a: {  	s22 =	simm.s32 $0xCC00;
	v3 =	vadd.s32 v1, v3  }
0x10b: {  	[tilespmem:s22], [sflag:$0x3] =	stream.indirect_vreg.gather [hbm4b:s4+s3], $0x80, v4, vm0, $0xb8;
	[tilespmem:$0x18400] =	vst v63  }
0x10c: {  	s22 =	simm.s32 $0xD400  }
0x10d: {  	[tilespmem:s22], [sflag:$0x3] =	stream.indirect_vreg.gather [hbm4b:s5+s3], $0x80, v4, vm0, $0xb8;
	[tilespmem:$0x18400] =	vst v63  }
0x10e: {  	s11 =	simm.s32 $0xDC00  }
0x10f: {  	[tilespmem:s11], [sflag:$0x3] =	stream.indirect_vreg.gather [hbm4b:s2+s3], $0x80, v3, vm0, $0xb8;
	[tilespmem:$0x18400] =	vst v63  }
0x110: {  	s11 =	simm.s32 $0xE400  }
0x111: {  	[tilespmem:s11], [sflag:$0x3] =	stream.indirect_vreg.gather [hbm4b:s4+s3], $0x80, v3, vm0, $0xb8;
	[tilespmem:$0x18400] =	vst v63  }
0x112: {  	s17 =	simm.s32 $0xEC00  }
0x113: {  	[tilespmem:s17], [sflag:$0x3] =	stream.indirect_vreg.gather [hbm4b:s5+s3], $0x80, v3, vm0, $0xb8;
	[tilespmem:$0x18400] =	vst v63  }
0x114: {  	v3 =	vld [tilespmem:$0xD0];
	_ =	sdelay $0x4  }
0x115: {  	v13 =	vshrl.u32 v3, $0x3  }
0x116: {  	v4 =	vmul.u32 $0x30, v13  }
0x117: {  	v3 =	vand.u32 $0x7, v3  }
0x118: {  	v3 =	vor.u32 v3, v4  }
0x119: {  	v4 =	vperm.xlane v3, v0;
	_ =	sdelay $0x1  }
0x11a: {  	v4 =	vadd.s32 v1, v4;
	_ =	sdelay $0x3  }
0x11b: {  	s17 =	simm.s32 $0xF400;
	v3 =	vperm.xlane v3, v2  }
0x11c: {  	[tilespmem:s17], [sflag:$0x3] =	stream.indirect_vreg.gather [hbm4b:s2+s3], $0x80, v4, vm0, $0xb8;
	[tilespmem:$0x18400] =	vst v63  }
0x11d: {  	s10 =	simm.s32 $0xFC00;
	v3 =	vadd.s32 v1, v3  }
0x11e: {  	[tilespmem:s10], [sflag:$0x3] =	stream.indirect_vreg.gather [hbm4b:s4+s3], $0x80, v4, vm0, $0xb8;
	[tilespmem:$0x18400] =	vst v63  }
0x11f: {  	s11 =	simm.s32 $0x10400  }
0x120: {  	[tilespmem:s11], [sflag:$0x3] =	stream.indirect_vreg.gather [hbm4b:s5+s3], $0x80, v4, vm0, $0xb8;
	[tilespmem:$0x18400] =	vst v63  }
0x121: {  	s12 =	simm.s32 $0x10C00  }
0x122: {  	[tilespmem:s12], [sflag:$0x3] =	stream.indirect_vreg.gather [hbm4b:s2+s3], $0x80, v3, vm0, $0xb8;
	[tilespmem:$0x18400] =	vst v63  }
0x123: {  	s12 =	simm.s32 $0x11400  }
0x124: {  	[tilespmem:s12], [sflag:$0x3] =	stream.indirect_vreg.gather [hbm4b:s4+s3], $0x80, v3, vm0, $0xb8;
	[tilespmem:$0x18400] =	vst v63  }
0x125: {  	s18 =	simm.s32 $0x11C00  }
0x126: {  	[tilespmem:s18], [sflag:$0x3] =	stream.indirect_vreg.gather [hbm4b:s5+s3], $0x80, v3, vm0, $0xb8;
	[tilespmem:$0x18400] =	vst v63  }
0x127: {  	_ =	swait.ge [sflag:s19], $0x6000  }
0x128: {  	[sflag:s19] =	ssyncset.done $0x0  }
0x129: {  	[sflag:s19] =	ssyncadd.s32 $0xFFFFA000  }
0x12a: {  	v3 =	vld [tilespmem:$0xE0];
	_ =	sdelay $0x4  }
0x12b: {  	v14 =	vshrl.u32 v3, $0x3  }
0x12c: {  	v4 =	vmul.u32 $0x30, v14  }
0x12d: {  	v3 =	vand.u32 $0x7, v3  }
0x12e: {  	v3 =	vor.u32 v3, v4  }
0x12f: {  	v4 =	vperm.xlane v3, v0;
	_ =	sdelay $0x1  }
0x130: {  	v4 =	vadd.s32 v1, v4;
	_ =	sdelay $0x3  }
0x131: {  	s18 =	simm.s32 $0x12400;
	v3 =	vperm.xlane v3, v2  }
0x132: {  	[tilespmem:s18], [sflag:$0x4] =	stream.indirect_vreg.gather [hbm4b:s2+s3], $0x80, v4, vm0, $0xb8;
	[tilespmem:$0x18400] =	vst v63  }
0x133: {  	s13 =	simm.s32 $0x12C00;
	v3 =	vadd.s32 v1, v3  }
0x134: {  	[tilespmem:s13], [sflag:$0x4] =	stream.indirect_vreg.gather [hbm4b:s4+s3], $0x80, v4, vm0, $0xb8;
	[tilespmem:$0x18400] =	vst v63  }
0x135: {  	s13 =	simm.s32 $0x13400  }
0x136: {  	[tilespmem:s13], [sflag:$0x4] =	stream.indirect_vreg.gather [hbm4b:s5+s3], $0x80, v4, vm0, $0xb8;
	[tilespmem:$0x18400] =	vst v63  }
0x137: {  	s14 =	simm.s32 $0x13C00  }
0x138: {  	[tilespmem:s14], [sflag:$0x4] =	stream.indirect_vreg.gather [hbm4b:s2+s3], $0x80, v3, vm0, $0xb8;
	[tilespmem:$0x18400] =	vst v63  }
0x139: {  	s14 =	simm.s32 $0x14400  }
0x13a: {  	[tilespmem:s14], [sflag:$0x4] =	stream.indirect_vreg.gather [hbm4b:s4+s3], $0x80, v3, vm0, $0xb8;
	[tilespmem:$0x18400] =	vst v63  }
0x13b: {  	s20 =	simm.s32 $0x14C00  }
0x13c: {  	[tilespmem:s20], [sflag:$0x4] =	stream.indirect_vreg.gather [hbm4b:s5+s3], $0x80, v3, vm0, $0xb8;
	[tilespmem:$0x18400] =	vst v63  }
0x13d: {  	v3 =	vld [tilespmem:$0xF0];
	_ =	sdelay $0x4  }
0x13e: {  	v15 =	vshrl.u32 v3, $0x3  }
0x13f: {  	v4 =	vmul.u32 $0x30, v15  }
0x140: {  	v3 =	vand.u32 $0x7, v3  }
0x141: {  	v3 =	vor.u32 v3, v4  }
0x142: {  	v4 =	vperm.xlane v3, v0;
	_ =	sdelay $0x1  }
0x143: {  	v4 =	vadd.s32 v1, v4;
	_ =	sdelay $0x3  }
0x144: {  	s20 =	simm.s32 $0x15400;
	v3 =	vperm.xlane v3, v2  }
0x145: {  	[tilespmem:s20], [sflag:$0x4] =	stream.indirect_vreg.gather [hbm4b:s2+s3], $0x80, v4, vm0, $0xb8;
	[tilespmem:$0x18400] =	vst v63  }
0x146: {  	s15 =	simm.s32 $0x15C00;
	v3 =	vadd.s32 v1, v3  }
0x147: {  	[tilespmem:s15], [sflag:$0x4] =	stream.indirect_vreg.gather [hbm4b:s4+s3], $0x80, v4, vm0, $0xb8;
	[tilespmem:$0x18400] =	vst v63  }
0x148: {  	s15 =	simm.s32 $0x16400  }
0x149: {  	[tilespmem:s15], [sflag:$0x4] =	stream.indirect_vreg.gather [hbm4b:s5+s3], $0x80, v4, vm0, $0xb8;
	[tilespmem:$0x18400] =	vst v63  }
0x14a: {  	s16 =	simm.s32 $0x16C00  }
0x14b: {  	[tilespmem:s16], [sflag:$0x4] =	stream.indirect_vreg.gather [hbm4b:s2+s3], $0x80, v3, vm0, $0xb8;
	[tilespmem:$0x18400] =	vst v63  }
0x14c: {  	s16 =	simm.s32 $0x17400  }
0x14d: {  	[tilespmem:s16], [sflag:$0x4] =	stream.indirect_vreg.gather [hbm4b:s4+s3], $0x80, v3, vm0, $0xb8;
	[tilespmem:$0x18400] =	vst v63  }
0x14e: {  	s10 =	simm.s32 $0x17C00  }
0x14f: {  	[tilespmem:s10], [sflag:$0x4] =	stream.indirect_vreg.gather [hbm4b:s5+s3], $0x80, v3, vm0, $0xb8;
	[tilespmem:$0x18400] =	vst v63  }
0x150: {  	_ =	swait.ge [sflag:s1], $0x6000  }
0x151: {  	[sflag:s1] =	ssyncset.done $0x0  }
0x152: {  	[sflag:s1] =	ssyncadd.s32 $0xFFFFA000  }
0x153: {  	v3 =	vld [tilespmem:$0x100];
	_ =	sdelay $0x4  }
0x154: {  	v16 =	vshrl.u32 v3, $0x3  }
0x155: {  	v4 =	vmul.u32 $0x30, v16  }
0x156: {  	v3 =	vand.u32 $0x7, v3  }
0x157: {  	v3 =	vor.u32 v3, v4  }
0x158: {  	v4 =	vperm.xlane v3, v0;
	_ =	sdelay $0x1  }
0x159: {  	v4 =	vadd.s32 v1, v4;
	_ =	sdelay $0x3  }
0x15a: {  	s10 =	simm.s32 $0x400;
	v3 =	vperm.xlane v3, v2  }
0x15b: {  	[tilespmem:s10], [sflag:$0x1] =	stream.indirect_vreg.gather [hbm4b:s2+s3], $0x80, v4, vm0, $0xb8;
	[tilespmem:$0x18400] =	vst v63  }
0x15c: {  	v3 =	vadd.s32 v1, v3;
	s10 =	simm.s32 $0xC00  }
0x15d: {  	[tilespmem:s10], [sflag:$0x1] =	stream.indirect_vreg.gather [hbm4b:s4+s3], $0x80, v4, vm0, $0xb8;
	[tilespmem:$0x18400] =	vst v63  }
0x15e: {  	s10 =	simm.s32 $0x1400  }
0x15f: {  	[tilespmem:s10], [sflag:$0x1] =	stream.indirect_vreg.gather [hbm4b:s5+s3], $0x80, v4, vm0, $0xb8;
	[tilespmem:$0x18400] =	vst v63  }
0x160: {  	s10 =	simm.s32 $0x1C00  }
0x161: {  	[tilespmem:s10], [sflag:$0x1] =	stream.indirect_vreg.gather [hbm4b:s2+s3], $0x80, v3, vm0, $0xb8;
	[tilespmem:$0x18400] =	vst v63  }
0x162: {  	s10 =	simm.s32 $0x2400  }
0x163: {  	[tilespmem:s10], [sflag:$0x1] =	stream.indirect_vreg.gather [hbm4b:s4+s3], $0x80, v3, vm0, $0xb8;
	[tilespmem:$0x18400] =	vst v63  }
0x164: {  	_ = 	snop  }
0x165: {  	[tilespmem:s6], [sflag:$0x1] =	stream.indirect_vreg.gather [hbm4b:s5+s3], $0x80, v3, vm0, $0xb8;
	[tilespmem:$0x18400] =	vst v63  }
0x166: {  	v3 =	vld [tilespmem:$0x110];
	_ =	sdelay $0x4  }
0x167: {  	v17 =	vshrl.u32 v3, $0x3  }
0x168: {  	v4 =	vmul.u32 $0x30, v17  }
0x169: {  	v3 =	vand.u32 $0x7, v3  }
0x16a: {  	v3 =	vor.u32 v3, v4  }
0x16b: {  	v4 =	vperm.xlane v3, v0;
	_ =	sdelay $0x1  }
0x16c: {  	v4 =	vadd.s32 v1, v4;
	_ =	sdelay $0x3  }
0x16d: {  	s10 =	simm.s32 $0x3400;
	v3 =	vperm.xlane v3, v2  }
0x16e: {  	[tilespmem:s10], [sflag:$0x1] =	stream.indirect_vreg.gather [hbm4b:s2+s3], $0x80, v4, vm0, $0xb8;
	[tilespmem:$0x18400] =	vst v63  }
0x16f: {  	v3 =	vadd.s32 v1, v3;
	s10 =	simm.s32 $0x3C00  }
0x170: {  	[tilespmem:s10], [sflag:$0x1] =	stream.indirect_vreg.gather [hbm4b:s4+s3], $0x80, v4, vm0, $0xb8;
	[tilespmem:$0x18400] =	vst v63  }
0x171: {  	s10 =	simm.s32 $0x4400  }
0x172: {  	[tilespmem:s10], [sflag:$0x1] =	stream.indirect_vreg.gather [hbm4b:s5+s3], $0x80, v4, vm0, $0xb8;
	[tilespmem:$0x18400] =	vst v63  }
0x173: {  	_ = 	snop  }
0x174: {  	[tilespmem:s0], [sflag:$0x1] =	stream.indirect_vreg.gather [hbm4b:s2+s3], $0x80, v3, vm0, $0xb8;
	[tilespmem:$0x18400] =	vst v63  }
0x175: {  	s6 =	simm.s32 $0x5400  }
0x176: {  	[tilespmem:s6], [sflag:$0x1] =	stream.indirect_vreg.gather [hbm4b:s4+s3], $0x80, v3, vm0, $0xb8;
	[tilespmem:$0x18400] =	vst v63  }
0x177: {  	_ = 	snop  }
0x178: {  	[tilespmem:s8], [sflag:$0x1] =	stream.indirect_vreg.gather [hbm4b:s5+s3], $0x80, v3, vm0, $0xb8;
	[tilespmem:$0x18400] =	vst v63  }
0x179: {  	_ =	swait.ge [sflag:s7], $0x6000  }
0x17a: {  	[sflag:s7] =	ssyncset.done $0x0  }
0x17b: {  	[sflag:s7] =	ssyncadd.s32 $0xFFFFA000  }
0x17c: {  	v3 =	vld [tilespmem:$0x120];
	_ =	sdelay $0x4  }
0x17d: {  	v18 =	vshrl.u32 v3, $0x3  }
0x17e: {  	v4 =	vmul.u32 $0x30, v18  }
0x17f: {  	v3 =	vand.u32 $0x7, v3  }
0x180: {  	v3 =	vor.u32 v3, v4  }
0x181: {  	v4 =	vperm.xlane v3, v0;
	_ =	sdelay $0x1  }
0x182: {  	v4 =	vadd.s32 v1, v4;
	_ =	sdelay $0x3  }
0x183: {  	s8 =	simm.s32 $0x6400;
	v3 =	vperm.xlane v3, v2  }
0x184: {  	[tilespmem:s8], [sflag:$0x2] =	stream.indirect_vreg.gather [hbm4b:s2+s3], $0x80, v4, vm0, $0xb8;
	[tilespmem:$0x18400] =	vst v63  }
0x185: {  	v3 =	vadd.s32 v1, v3  }
0x186: {  	[tilespmem:s23], [sflag:$0x2] =	stream.indirect_vreg.gather [hbm4b:s4+s3], $0x80, v4, vm0, $0xb8;
	[tilespmem:$0x18400] =	vst v63  }
0x187: {  	_ = 	snop  }
0x188: {  	[tilespmem:s24], [sflag:$0x2] =	stream.indirect_vreg.gather [hbm4b:s5+s3], $0x80, v4, vm0, $0xb8;
	[tilespmem:$0x18400] =	vst v63  }
0x189: {  	_ = 	snop  }
0x18a: {  	[tilespmem:s25], [sflag:$0x2] =	stream.indirect_vreg.gather [hbm4b:s2+s3], $0x80, v3, vm0, $0xb8;
	[tilespmem:$0x18400] =	vst v63  }
0x18b: {  	_ = 	snop  }
0x18c: {  	[tilespmem:s26], [sflag:$0x2] =	stream.indirect_vreg.gather [hbm4b:s4+s3], $0x80, v3, vm0, $0xb8;
	[tilespmem:$0x18400] =	vst v63  }
0x18d: {  	s10 =	simm.s32 $0x8C00  }
0x18e: {  	[tilespmem:s10], [sflag:$0x2] =	stream.indirect_vreg.gather [hbm4b:s5+s3], $0x80, v3, vm0, $0xb8;
	[tilespmem:$0x18400] =	vst v63  }
0x18f: {  	v3 =	vld [tilespmem:$0x130];
	_ =	sdelay $0x4  }
0x190: {  	v19 =	vshrl.u32 v3, $0x3  }
0x191: {  	v4 =	vmul.u32 $0x30, v19  }
0x192: {  	v3 =	vand.u32 $0x7, v3  }
0x193: {  	v3 =	vor.u32 v3, v4  }
0x194: {  	v4 =	vperm.xlane v3, v0;
	_ =	sdelay $0x1  }
0x195: {  	v4 =	vadd.s32 v1, v4;
	_ =	sdelay $0x3  }
0x196: {  	s6 =	simm.s32 $0x9400;
	v3 =	vperm.xlane v3, v2  }
0x197: {  	[tilespmem:s6], [sflag:$0x2] =	stream.indirect_vreg.gather [hbm4b:s2+s3], $0x80, v4, vm0, $0xb8;
	[tilespmem:$0x18400] =	vst v63  }
0x198: {  	v3 =	vadd.s32 v1, v3  }
0x199: {  	[tilespmem:s28], [sflag:$0x2] =	stream.indirect_vreg.gather [hbm4b:s4+s3], $0x80, v4, vm0, $0xb8;
	[tilespmem:$0x18400] =	vst v63  }
0x19a: {  	_ = 	snop  }
0x19b: {  	[tilespmem:s29], [sflag:$0x2] =	stream.indirect_vreg.gather [hbm4b:s5+s3], $0x80, v4, vm0, $0xb8;
	[tilespmem:$0x18400] =	vst v63  }
0x19c: {  	_ = 	snop  }
0x19d: {  	[tilespmem:s30], [sflag:$0x2] =	stream.indirect_vreg.gather [hbm4b:s2+s3], $0x80, v3, vm0, $0xb8;
	[tilespmem:$0x18400] =	vst v63  }
0x19e: {  	_ = 	snop  }
0x19f: {  	[tilespmem:s31], [sflag:$0x2] =	stream.indirect_vreg.gather [hbm4b:s4+s3], $0x80, v3, vm0, $0xb8;
	[tilespmem:$0x18400] =	vst v63  }
0x1a0: {  	_ = 	snop  }
0x1a1: {  	[tilespmem:s21], [sflag:$0x2] =	stream.indirect_vreg.gather [hbm4b:s5+s3], $0x80, v3, vm0, $0xb8;
	[tilespmem:$0x18400] =	vst v63  }
0x1a2: {  	_ =	swait.ge [sflag:s9], $0x6000  }
0x1a3: {  	[sflag:s9] =	ssyncset.done $0x0  }
0x1a4: {  	[sflag:s9] =	ssyncadd.s32 $0xFFFFA000  }
0x1a5: {  	v3 =	vld [tilespmem:$0x140];
	_ =	sdelay $0x4  }
0x1a6: {  	v20 =	vshrl.u32 v3, $0x3  }
0x1a7: {  	v4 =	vmul.u32 $0x30, v20  }
0x1a8: {  	v3 =	vand.u32 $0x7, v3  }
0x1a9: {  	v3 =	vor.u32 v3, v4  }
0x1aa: {  	v4 =	vperm.xlane v3, v0;
	_ =	sdelay $0x1  }
0x1ab: {  	v4 =	vadd.s32 v1, v4;
	_ =	sdelay $0x3  }
0x1ac: {  	s8 =	simm.s32 $0xC400;
	v3 =	vperm.xlane v3, v2  }
0x1ad: {  	[tilespmem:s8], [sflag:$0x3] =	stream.indirect_vreg.gather [hbm4b:s2+s3], $0x80, v4, vm0, $0xb8;
	[tilespmem:$0x18400] =	vst v63  }
0x1ae: {  	s10 =	simm.s32 $0xCC00;
	v3 =	vadd.s32 v1, v3  }
0x1af: {  	[tilespmem:s10], [sflag:$0x3] =	stream.indirect_vreg.gather [hbm4b:s4+s3], $0x80, v4, vm0, $0xb8;
	[tilespmem:$0x18400] =	vst v63  }
0x1b0: {  	_ = 	snop  }
0x1b1: {  	[tilespmem:s22], [sflag:$0x3] =	stream.indirect_vreg.gather [hbm4b:s5+s3], $0x80, v4, vm0, $0xb8;
	[tilespmem:$0x18400] =	vst v63  }
0x1b2: {  	s22 =	simm.s32 $0xDC00  }
0x1b3: {  	[tilespmem:s22], [sflag:$0x3] =	stream.indirect_vreg.gather [hbm4b:s2+s3], $0x80, v3, vm0, $0xb8;
	[tilespmem:$0x18400] =	vst v63  }
0x1b4: {  	s8 =	simm.s32 $0xE400  }
0x1b5: {  	[tilespmem:s8], [sflag:$0x3] =	stream.indirect_vreg.gather [hbm4b:s4+s3], $0x80, v3, vm0, $0xb8;
	[tilespmem:$0x18400] =	vst v63  }
0x1b6: {  	s22 =	simm.s32 $0xEC00  }
0x1b7: {  	[tilespmem:s22], [sflag:$0x3] =	stream.indirect_vreg.gather [hbm4b:s5+s3], $0x80, v3, vm0, $0xb8;
	[tilespmem:$0x18400] =	vst v63  }
0x1b8: {  	v3 =	vld [tilespmem:$0x150];
	_ =	sdelay $0x4  }
0x1b9: {  	v21 =	vshrl.u32 v3, $0x3  }
0x1ba: {  	v4 =	vmul.u32 $0x30, v21  }
0x1bb: {  	v3 =	vand.u32 $0x7, v3  }
0x1bc: {  	v3 =	vor.u32 v3, v4  }
0x1bd: {  	v4 =	vperm.xlane v3, v0;
	_ =	sdelay $0x1  }
0x1be: {  	v4 =	vadd.s32 v1, v4;
	_ =	sdelay $0x3  }
0x1bf: {  	v3 =	vperm.xlane v3, v2  }
0x1c0: {  	[tilespmem:s17], [sflag:$0x3] =	stream.indirect_vreg.gather [hbm4b:s2+s3], $0x80, v4, vm0, $0xb8;
	[tilespmem:$0x18400] =	vst v63  }
0x1c1: {  	s0 =	simm.s32 $0xFC00;
	v3 =	vadd.s32 v1, v3  }
0x1c2: {  	[tilespmem:s0], [sflag:$0x3] =	stream.indirect_vreg.gather [hbm4b:s4+s3], $0x80, v4, vm0, $0xb8;
	[tilespmem:$0x18400] =	vst v63  }
0x1c3: {  	_ = 	snop  }
0x1c4: {  	[tilespmem:s11], [sflag:$0x3] =	stream.indirect_vreg.gather [hbm4b:s5+s3], $0x80, v4, vm0, $0xb8;
	[tilespmem:$0x18400] =	vst v63  }
0x1c5: {  	s0 =	simm.s32 $0x10C00  }
0x1c6: {  	[tilespmem:s0], [sflag:$0x3] =	stream.indirect_vreg.gather [hbm4b:s2+s3], $0x80, v3, vm0, $0xb8;
	[tilespmem:$0x18400] =	vst v63  }
0x1c7: {  	_ = 	snop  }
0x1c8: {  	[tilespmem:s12], [sflag:$0x3] =	stream.indirect_vreg.gather [hbm4b:s4+s3], $0x80, v3, vm0, $0xb8;
	[tilespmem:$0x18400] =	vst v63  }
0x1c9: {  	s0 =	simm.s32 $0x11C00  }
0x1ca: {  	[tilespmem:s0], [sflag:$0x3] =	stream.indirect_vreg.gather [hbm4b:s5+s3], $0x80, v3, vm0, $0xb8;
	[tilespmem:$0x18400] =	vst v63  }
0x1cb: {  	_ =	swait.ge [sflag:s19], $0x6000  }
0x1cc: {  	[sflag:s19] =	ssyncset.done $0x0  }
0x1cd: {  	[sflag:s19] =	ssyncadd.s32 $0xFFFFA000  }
0x1ce: {  	v3 =	vld [tilespmem:$0x160];
	_ =	sdelay $0x4  }
0x1cf: {  	v22 =	vshrl.u32 v3, $0x3  }
0x1d0: {  	v4 =	vmul.u32 $0x30, v22  }
0x1d1: {  	v3 =	vand.u32 $0x7, v3  }
0x1d2: {  	v3 =	vor.u32 v3, v4  }
0x1d3: {  	v4 =	vperm.xlane v3, v0;
	_ =	sdelay $0x1  }
0x1d4: {  	v4 =	vadd.s32 v1, v4;
	_ =	sdelay $0x3  }
0x1d5: {  	v3 =	vperm.xlane v3, v2  }
0x1d6: {  	[tilespmem:s18], [sflag:$0x4] =	stream.indirect_vreg.gather [hbm4b:s2+s3], $0x80, v4, vm0, $0xb8;
	[tilespmem:$0x18400] =	vst v63  }
0x1d7: {  	s0 =	simm.s32 $0x12C00;
	v3 =	vadd.s32 v1, v3  }
0x1d8: {  	[tilespmem:s0], [sflag:$0x4] =	stream.indirect_vreg.gather [hbm4b:s4+s3], $0x80, v4, vm0, $0xb8;
	[tilespmem:$0x18400] =	vst v63  }
0x1d9: {  	_ = 	snop  }
0x1da: {  	[tilespmem:s13], [sflag:$0x4] =	stream.indirect_vreg.gather [hbm4b:s5+s3], $0x80, v4, vm0, $0xb8;
	[tilespmem:$0x18400] =	vst v63  }
0x1db: {  	s0 =	simm.s32 $0x13C00  }
0x1dc: {  	[tilespmem:s0], [sflag:$0x4] =	stream.indirect_vreg.gather [hbm4b:s2+s3], $0x80, v3, vm0, $0xb8;
	[tilespmem:$0x18400] =	vst v63  }
0x1dd: {  	_ = 	snop  }
0x1de: {  	[tilespmem:s14], [sflag:$0x4] =	stream.indirect_vreg.gather [hbm4b:s4+s3], $0x80, v3, vm0, $0xb8;
	[tilespmem:$0x18400] =	vst v63  }
0x1df: {  	s0 =	simm.s32 $0x14C00  }
0x1e0: {  	[tilespmem:s0], [sflag:$0x4] =	stream.indirect_vreg.gather [hbm4b:s5+s3], $0x80, v3, vm0, $0xb8;
	[tilespmem:$0x18400] =	vst v63  }
0x1e1: {  	v3 =	vld [tilespmem:$0x170];
	_ =	sdelay $0x4  }
0x1e2: {  	v23 =	vshrl.u32 v3, $0x3  }
0x1e3: {  	v4 =	vmul.u32 $0x30, v23  }
0x1e4: {  	v3 =	vand.u32 $0x7, v3  }
0x1e5: {  	v3 =	vor.u32 v3, v4  }
0x1e6: {  	v4 =	vperm.xlane v3, v0;
	_ =	sdelay $0x1  }
0x1e7: {  	v4 =	vadd.s32 v1, v4;
	_ =	sdelay $0x3  }
0x1e8: {  	v3 =	vperm.xlane v3, v2  }
0x1e9: {  	[tilespmem:s20], [sflag:$0x4] =	stream.indirect_vreg.gather [hbm4b:s2+s3], $0x80, v4, vm0, $0xb8;
	[tilespmem:$0x18400] =	vst v63  }
0x1ea: {  	s0 =	simm.s32 $0x15C00;
	v3 =	vadd.s32 v1, v3  }
0x1eb: {  	[tilespmem:s0], [sflag:$0x4] =	stream.indirect_vreg.gather [hbm4b:s4+s3], $0x80, v4, vm0, $0xb8;
	[tilespmem:$0x18400] =	vst v63  }
0x1ec: {  	_ = 	snop  }
0x1ed: {  	[tilespmem:s15], [sflag:$0x4] =	stream.indirect_vreg.gather [hbm4b:s5+s3], $0x80, v4, vm0, $0xb8;
	[tilespmem:$0x18400] =	vst v63  }
0x1ee: {  	s0 =	simm.s32 $0x16C00  }
0x1ef: {  	[tilespmem:s0], [sflag:$0x4] =	stream.indirect_vreg.gather [hbm4b:s2+s3], $0x80, v3, vm0, $0xb8;
	[tilespmem:$0x18400] =	vst v63  }
0x1f0: {  	_ = 	snop  }
0x1f1: {  	[tilespmem:s16], [sflag:$0x4] =	stream.indirect_vreg.gather [hbm4b:s4+s3], $0x80, v3, vm0, $0xb8;
	[tilespmem:$0x18400] =	vst v63  }
0x1f2: {  	s0 =	simm.s32 $0x17C00  }
0x1f3: {  	[tilespmem:s0], [sflag:$0x4] =	stream.indirect_vreg.gather [hbm4b:s5+s3], $0x80, v3, vm0, $0xb8;
	[tilespmem:$0x18400] =	vst v63  }
0x1f4: {  	_ =	swait.ge [sflag:s1], $0x6000  }
0x1f5: {  	[sflag:s1] =	ssyncset.done $0x0  }
0x1f6: {  	[sflag:s1] =	ssyncadd.s32 $0xFFFFA000  }
0x1f7: {  	v3 =	vld [tilespmem:$0x180];
	_ =	sdelay $0x4  }
0x1f8: {  	v24 =	vshrl.u32 v3, $0x3  }
0x1f9: {  	v4 =	vmul.u32 $0x30, v24  }
0x1fa: {  	v3 =	vand.u32 $0x7, v3  }
0x1fb: {  	v3 =	vor.u32 v3, v4  }
0x1fc: {  	v4 =	vperm.xlane v3, v0;
	_ =	sdelay $0x1  }
0x1fd: {  	v4 =	vadd.s32 v1, v4;
	_ =	sdelay $0x3  }
0x1fe: {  	s0 =	simm.s32 $0x400;
	v3 =	vperm.xlane v3, v2  }
0x1ff: {  	[tilespmem:s0], [sflag:$0x1] =	stream.indirect_vreg.gather [hbm4b:s2+s3], $0x80, v4, vm0, $0xb8;
	[tilespmem:$0x18400] =	vst v63  }
0x200: {  	v3 =	vadd.s32 v1, v3;
	s0 =	simm.s32 $0xC00  }
0x201: {  	[tilespmem:s0], [sflag:$0x1] =	stream.indirect_vreg.gather [hbm4b:s4+s3], $0x80, v4, vm0, $0xb8;
	[tilespmem:$0x18400] =	vst v63  }
0x202: {  	s0 =	simm.s32 $0x1400  }
0x203: {  	[tilespmem:s0], [sflag:$0x1] =	stream.indirect_vreg.gather [hbm4b:s5+s3], $0x80, v4, vm0, $0xb8;
	[tilespmem:$0x18400] =	vst v63  }
0x204: {  	s0 =	simm.s32 $0x1C00  }
0x205: {  	[tilespmem:s0], [sflag:$0x1] =	stream.indirect_vreg.gather [hbm4b:s2+s3], $0x80, v3, vm0, $0xb8;
	[tilespmem:$0x18400] =	vst v63  }
0x206: {  	s0 =	simm.s32 $0x2400  }
0x207: {  	[tilespmem:s0], [sflag:$0x1] =	stream.indirect_vreg.gather [hbm4b:s4+s3], $0x80, v3, vm0, $0xb8;
	[tilespmem:$0x18400] =	vst v63  }
0x208: {  	s0 =	simm.s32 $0x2C00  }
0x209: {  	[tilespmem:s0], [sflag:$0x1] =	stream.indirect_vreg.gather [hbm4b:s5+s3], $0x80, v3, vm0, $0xb8;
	[tilespmem:$0x18400] =	vst v63  }
0x20a: {  	v3 =	vld [tilespmem:$0x190];
	_ =	sdelay $0x4  }
0x20b: {  	v25 =	vshrl.u32 v3, $0x3  }
0x20c: {  	v4 =	vmul.u32 $0x30, v25  }
0x20d: {  	v3 =	vand.u32 $0x7, v3  }
0x20e: {  	v3 =	vor.u32 v3, v4  }
0x20f: {  	v4 =	vperm.xlane v3, v0;
	_ =	sdelay $0x1  }
0x210: {  	v4 =	vadd.s32 v1, v4;
	_ =	sdelay $0x3  }
0x211: {  	s0 =	simm.s32 $0x3400;
	v3 =	vperm.xlane v3, v2  }
0x212: {  	[tilespmem:s0], [sflag:$0x1] =	stream.indirect_vreg.gather [hbm4b:s2+s3], $0x80, v4, vm0, $0xb8;
	[tilespmem:$0x18400] =	vst v63  }
0x213: {  	v3 =	vadd.s32 v1, v3;
	s0 =	simm.s32 $0x3C00  }
0x214: {  	[tilespmem:s0], [sflag:$0x1] =	stream.indirect_vreg.gather [hbm4b:s4+s3], $0x80, v4, vm0, $0xb8;
	[tilespmem:$0x18400] =	vst v63  }
0x215: {  	s0 =	simm.s32 $0x4400  }
0x216: {  	[tilespmem:s0], [sflag:$0x1] =	stream.indirect_vreg.gather [hbm4b:s5+s3], $0x80, v4, vm0, $0xb8;
	[tilespmem:$0x18400] =	vst v63  }
0x217: {  	s0 =	simm.s32 $0x4C00  }
0x218: {  	[tilespmem:s0], [sflag:$0x1] =	stream.indirect_vreg.gather [hbm4b:s2+s3], $0x80, v3, vm0, $0xb8;
	[tilespmem:$0x18400] =	vst v63  }
0x219: {  	s0 =	simm.s32 $0x5400  }
0x21a: {  	[tilespmem:s0], [sflag:$0x1] =	stream.indirect_vreg.gather [hbm4b:s4+s3], $0x80, v3, vm0, $0xb8;
	[tilespmem:$0x18400] =	vst v63  }
0x21b: {  	s0 =	simm.s32 $0x5C00  }
0x21c: {  	[tilespmem:s0], [sflag:$0x1] =	stream.indirect_vreg.gather [hbm4b:s5+s3], $0x80, v3, vm0, $0xb8;
	[tilespmem:$0x18400] =	vst v63  }
0x21d: {  	_ =	swait.ge [sflag:s7], $0x6000  }
0x21e: {  	[sflag:s7] =	ssyncset.done $0x0  }
0x21f: {  	[sflag:s7] =	ssyncadd.s32 $0xFFFFA000  }
0x220: {  	v3 =	vld [tilespmem:$0x1A0];
	_ =	sdelay $0x4  }
0x221: {  	v26 =	vshrl.u32 v3, $0x3  }
0x222: {  	v4 =	vmul.u32 $0x30, v26  }
0x223: {  	v3 =	vand.u32 $0x7, v3  }
0x224: {  	v3 =	vor.u32 v3, v4  }
0x225: {  	v4 =	vperm.xlane v3, v0;
	_ =	sdelay $0x1  }
0x226: {  	v4 =	vadd.s32 v1, v4;
	_ =	sdelay $0x3  }
0x227: {  	s0 =	simm.s32 $0x6400;
	v3 =	vperm.xlane v3, v2  }
0x228: {  	[tilespmem:s0], [sflag:$0x2] =	stream.indirect_vreg.gather [hbm4b:s2+s3], $0x80, v4, vm0, $0xb8;
	[tilespmem:$0x18400] =	vst v63  }
0x229: {  	s23 =	simm.s32 $0x6C00;
	v3 =	vadd.s32 v1, v3  }
0x22a: {  	[tilespmem:s23], [sflag:$0x2] =	stream.indirect_vreg.gather [hbm4b:s4+s3], $0x80, v4, vm0, $0xb8;
	[tilespmem:$0x18400] =	vst v63  }
0x22b: {  	s24 =	simm.s32 $0x7400  }
0x22c: {  	[tilespmem:s24], [sflag:$0x2] =	stream.indirect_vreg.gather [hbm4b:s5+s3], $0x80, v4, vm0, $0xb8;
	[tilespmem:$0x18400] =	vst v63  }
0x22d: {  	s25 =	simm.s32 $0x7C00  }
0x22e: {  	[tilespmem:s25], [sflag:$0x2] =	stream.indirect_vreg.gather [hbm4b:s2+s3], $0x80, v3, vm0, $0xb8;
	[tilespmem:$0x18400] =	vst v63  }
0x22f: {  	s26 =	simm.s32 $0x8400  }
0x230: {  	[tilespmem:s26], [sflag:$0x2] =	stream.indirect_vreg.gather [hbm4b:s4+s3], $0x80, v3, vm0, $0xb8;
	[tilespmem:$0x18400] =	vst v63  }
0x231: {  	s0 =	simm.s32 $0x8C00  }
0x232: {  	[tilespmem:s0], [sflag:$0x2] =	stream.indirect_vreg.gather [hbm4b:s5+s3], $0x80, v3, vm0, $0xb8;
	[tilespmem:$0x18400] =	vst v63  }
0x233: {  	v3 =	vld [tilespmem:$0x1B0];
	_ =	sdelay $0x4  }
0x234: {  	v27 =	vshrl.u32 v3, $0x3  }
0x235: {  	v4 =	vmul.u32 $0x30, v27  }
0x236: {  	v3 =	vand.u32 $0x7, v3  }
0x237: {  	v3 =	vor.u32 v3, v4  }
0x238: {  	v4 =	vperm.xlane v3, v0;
	_ =	sdelay $0x1  }
0x239: {  	v4 =	vadd.s32 v1, v4;
	_ =	sdelay $0x3  }
0x23a: {  	s0 =	simm.s32 $0x9400;
	v3 =	vperm.xlane v3, v2  }
0x23b: {  	[tilespmem:s0], [sflag:$0x2] =	stream.indirect_vreg.gather [hbm4b:s2+s3], $0x80, v4, vm0, $0xb8;
	[tilespmem:$0x18400] =	vst v63  }
0x23c: {  	s28 =	simm.s32 $0x9C00;
	v3 =	vadd.s32 v1, v3  }
0x23d: {  	[tilespmem:s28], [sflag:$0x2] =	stream.indirect_vreg.gather [hbm4b:s4+s3], $0x80, v4, vm0, $0xb8;
	[tilespmem:$0x18400] =	vst v63  }
0x23e: {  	s29 =	simm.s32 $0xA400  }
0x23f: {  	[tilespmem:s29], [sflag:$0x2] =	stream.indirect_vreg.gather [hbm4b:s5+s3], $0x80, v4, vm0, $0xb8;
	[tilespmem:$0x18400] =	vst v63  }
0x240: {  	s30 =	simm.s32 $0xAC00  }
0x241: {  	[tilespmem:s30], [sflag:$0x2] =	stream.indirect_vreg.gather [hbm4b:s2+s3], $0x80, v3, vm0, $0xb8;
	[tilespmem:$0x18400] =	vst v63  }
0x242: {  	s31 =	simm.s32 $0xB400  }
0x243: {  	[tilespmem:s31], [sflag:$0x2] =	stream.indirect_vreg.gather [hbm4b:s4+s3], $0x80, v3, vm0, $0xb8;
	[tilespmem:$0x18400] =	vst v63  }
0x244: {  	s21 =	simm.s32 $0xBC00  }
0x245: {  	[tilespmem:s21], [sflag:$0x2] =	stream.indirect_vreg.gather [hbm4b:s5+s3], $0x80, v3, vm0, $0xb8;
	[tilespmem:$0x18400] =	vst v63  }
0x246: {  	_ =	swait.ge [sflag:s9], $0x6000  }
0x247: {  	[sflag:s9] =	ssyncset.done $0x0  }
0x248: {  	[sflag:s9] =	ssyncadd.s32 $0xFFFFA000  }
0x249: {  	v3 =	vld [tilespmem:$0x1C0];
	_ =	sdelay $0x4  }
0x24a: {  	v28 =	vshrl.u32 v3, $0x3  }
0x24b: {  	v4 =	vmul.u32 $0x30, v28  }
0x24c: {  	v3 =	vand.u32 $0x7, v3  }
0x24d: {  	v3 =	vor.u32 v3, v4  }
0x24e: {  	v4 =	vperm.xlane v3, v0;
	_ =	sdelay $0x1  }
0x24f: {  	v4 =	vadd.s32 v1, v4;
	_ =	sdelay $0x3  }
0x250: {  	s21 =	simm.s32 $0xC400;
	v3 =	vperm.xlane v3, v2  }
0x251: {  	[tilespmem:s21], [sflag:$0x3] =	stream.indirect_vreg.gather [hbm4b:s2+s3], $0x80, v4, vm0, $0xb8;
	[tilespmem:$0x18400] =	vst v63  }
0x252: {  	s6 =	simm.s32 $0xCC00;
	v3 =	vadd.s32 v1, v3  }
0x253: {  	[tilespmem:s6], [sflag:$0x3] =	stream.indirect_vreg.gather [hbm4b:s4+s3], $0x80, v4, vm0, $0xb8;
	[tilespmem:$0x18400] =	vst v63  }
0x254: {  	s6 =	simm.s32 $0xD400  }
0x255: {  	[tilespmem:s6], [sflag:$0x3] =	stream.indirect_vreg.gather [hbm4b:s5+s3], $0x80, v4, vm0, $0xb8;
	[tilespmem:$0x18400] =	vst v63  }
0x256: {  	s10 =	simm.s32 $0xDC00  }
0x257: {  	[tilespmem:s10], [sflag:$0x3] =	stream.indirect_vreg.gather [hbm4b:s2+s3], $0x80, v3, vm0, $0xb8;
	[tilespmem:$0x18400] =	vst v63  }
0x258: {  	s8 =	simm.s32 $0xE400  }
0x259: {  	[tilespmem:s8], [sflag:$0x3] =	stream.indirect_vreg.gather [hbm4b:s4+s3], $0x80, v3, vm0, $0xb8;
	[tilespmem:$0x18400] =	vst v63  }
0x25a: {  	s0 =	simm.s32 $0xEC00  }
0x25b: {  	[tilespmem:s0], [sflag:$0x3] =	stream.indirect_vreg.gather [hbm4b:s5+s3], $0x80, v3, vm0, $0xb8;
	[tilespmem:$0x18400] =	vst v63  }
0x25c: {  	v3 =	vld [tilespmem:$0x1D0];
	_ =	sdelay $0x4  }
0x25d: {  	v29 =	vshrl.u32 v3, $0x3  }
0x25e: {  	v4 =	vmul.u32 $0x30, v29  }
0x25f: {  	v3 =	vand.u32 $0x7, v3  }
0x260: {  	v3 =	vor.u32 v3, v4  }
0x261: {  	v4 =	vperm.xlane v3, v0;
	_ =	sdelay $0x1  }
0x262: {  	v4 =	vadd.s32 v1, v4;
	_ =	sdelay $0x3  }
0x263: {  	s17 =	simm.s32 $0xF400;
	v3 =	vperm.xlane v3, v2  }
0x264: {  	[tilespmem:s17], [sflag:$0x3] =	stream.indirect_vreg.gather [hbm4b:s2+s3], $0x80, v4, vm0, $0xb8;
	[tilespmem:$0x18400] =	vst v63  }
0x265: {  	s22 =	simm.s32 $0xFC00;
	v3 =	vadd.s32 v1, v3  }
0x266: {  	[tilespmem:s22], [sflag:$0x3] =	stream.indirect_vreg.gather [hbm4b:s4+s3], $0x80, v4, vm0, $0xb8;
	[tilespmem:$0x18400] =	vst v63  }
0x267: {  	s11 =	simm.s32 $0x10400  }
0x268: {  	[tilespmem:s11], [sflag:$0x3] =	stream.indirect_vreg.gather [hbm4b:s5+s3], $0x80, v4, vm0, $0xb8;
	[tilespmem:$0x18400] =	vst v63  }
0x269: {  	s0 =	simm.s32 $0x10C00  }
0x26a: {  	[tilespmem:s0], [sflag:$0x3] =	stream.indirect_vreg.gather [hbm4b:s2+s3], $0x80, v3, vm0, $0xb8;
	[tilespmem:$0x18400] =	vst v63  }
0x26b: {  	s12 =	simm.s32 $0x11400  }
0x26c: {  	[tilespmem:s12], [sflag:$0x3] =	stream.indirect_vreg.gather [hbm4b:s4+s3], $0x80, v3, vm0, $0xb8;
	[tilespmem:$0x18400] =	vst v63  }
0x26d: {  	s0 =	simm.s32 $0x11C00  }
0x26e: {  	[tilespmem:s0], [sflag:$0x3] =	stream.indirect_vreg.gather [hbm4b:s5+s3], $0x80, v3, vm0, $0xb8;
	[tilespmem:$0x18400] =	vst v63  }
0x26f: {  	_ =	swait.ge [sflag:s19], $0x6000  }
0x270: {  	[sflag:s19] =	ssyncset.done $0x0  }
0x271: {  	[sflag:s19] =	ssyncadd.s32 $0xFFFFA000  }
0x272: {  	v3 =	vld [tilespmem:$0x1E0];
	_ =	sdelay $0x4  }
0x273: {  	v30 =	vshrl.u32 v3, $0x3  }
0x274: {  	v4 =	vmul.u32 $0x30, v30  }
0x275: {  	v3 =	vand.u32 $0x7, v3  }
0x276: {  	v3 =	vor.u32 v3, v4  }
0x277: {  	v4 =	vperm.xlane v3, v0;
	_ =	sdelay $0x1  }
0x278: {  	v4 =	vadd.s32 v1, v4;
	_ =	sdelay $0x3  }
0x279: {  	s18 =	simm.s32 $0x12400;
	v3 =	vperm.xlane v3, v2  }
0x27a: {  	[tilespmem:s18], [sflag:$0x4] =	stream.indirect_vreg.gather [hbm4b:s2+s3], $0x80, v4, vm0, $0xb8;
	[tilespmem:$0x18400] =	vst v63  }
0x27b: {  	s0 =	simm.s32 $0x12C00;
	v3 =	vadd.s32 v1, v3  }
0x27c: {  	[tilespmem:s0], [sflag:$0x4] =	stream.indirect_vreg.gather [hbm4b:s4+s3], $0x80, v4, vm0, $0xb8;
	[tilespmem:$0x18400] =	vst v63  }
0x27d: {  	s13 =	simm.s32 $0x13400  }
0x27e: {  	[tilespmem:s13], [sflag:$0x4] =	stream.indirect_vreg.gather [hbm4b:s5+s3], $0x80, v4, vm0, $0xb8;
	[tilespmem:$0x18400] =	vst v63  }
0x27f: {  	s0 =	simm.s32 $0x13C00  }
0x280: {  	[tilespmem:s0], [sflag:$0x4] =	stream.indirect_vreg.gather [hbm4b:s2+s3], $0x80, v3, vm0, $0xb8;
	[tilespmem:$0x18400] =	vst v63  }
0x281: {  	s14 =	simm.s32 $0x14400  }
0x282: {  	[tilespmem:s14], [sflag:$0x4] =	stream.indirect_vreg.gather [hbm4b:s4+s3], $0x80, v3, vm0, $0xb8;
	[tilespmem:$0x18400] =	vst v63  }
0x283: {  	s0 =	simm.s32 $0x14C00  }
0x284: {  	[tilespmem:s0], [sflag:$0x4] =	stream.indirect_vreg.gather [hbm4b:s5+s3], $0x80, v3, vm0, $0xb8;
	[tilespmem:$0x18400] =	vst v63  }
0x285: {  	v3 =	vld [tilespmem:$0x1F0];
	_ =	sdelay $0x4  }
0x286: {  	v31 =	vshrl.u32 v3, $0x3  }
0x287: {  	v4 =	vmul.u32 $0x30, v31  }
0x288: {  	v3 =	vand.u32 $0x7, v3  }
0x289: {  	v3 =	vor.u32 v3, v4  }
0x28a: {  	v4 =	vperm.xlane v3, v0;
	_ =	sdelay $0x1  }
0x28b: {  	v4 =	vadd.s32 v1, v4;
	_ =	sdelay $0x3  }
0x28c: {  	s20 =	simm.s32 $0x15400;
	v3 =	vperm.xlane v3, v2  }
0x28d: {  	[tilespmem:s20], [sflag:$0x4] =	stream.indirect_vreg.gather [hbm4b:s2+s3], $0x80, v4, vm0, $0xb8;
	[tilespmem:$0x18400] =	vst v63  }
0x28e: {  	s0 =	simm.s32 $0x15C00;
	v3 =	vadd.s32 v1, v3  }
0x28f: {  	[tilespmem:s0], [sflag:$0x4] =	stream.indirect_vreg.gather [hbm4b:s4+s3], $0x80, v4, vm0, $0xb8;
	[tilespmem:$0x18400] =	vst v63  }
0x290: {  	s15 =	simm.s32 $0x16400  }
0x291: {  	[tilespmem:s15], [sflag:$0x4] =	stream.indirect_vreg.gather [hbm4b:s5+s3], $0x80, v4, vm0, $0xb8;
	[tilespmem:$0x18400] =	vst v63  }
0x292: {  	s0 =	simm.s32 $0x16C00  }
0x293: {  	[tilespmem:s0], [sflag:$0x4] =	stream.indirect_vreg.gather [hbm4b:s2+s3], $0x80, v3, vm0, $0xb8;
	[tilespmem:$0x18400] =	vst v63  }
0x294: {  	s16 =	simm.s32 $0x17400  }
0x295: {  	[tilespmem:s16], [sflag:$0x4] =	stream.indirect_vreg.gather [hbm4b:s4+s3], $0x80, v3, vm0, $0xb8;
	[tilespmem:$0x18400] =	vst v63  }
0x296: {  	s0 =	simm.s32 $0x17C00  }
0x297: {  	[tilespmem:s0], [sflag:$0x4] =	stream.indirect_vreg.gather [hbm4b:s5+s3], $0x80, v3, vm0, $0xb8;
	[tilespmem:$0x18400] =	vst v63  }
0x298: {  	_ =	swait.ge [sflag:s1], $0x6000  }
0x299: {  	[sflag:s1] =	ssyncset.done $0x0  }
0x29a: {  	[sflag:s1] =	ssyncadd.s32 $0xFFFFA000  }
0x29b: {  	v3 =	vld [tilespmem:$0x200];
	_ =	sdelay $0x4  }
0x29c: {  	v32 =	vshrl.u32 v3, $0x3  }
0x29d: {  	v4 =	vmul.u32 $0x30, v32  }
0x29e: {  	v3 =	vand.u32 $0x7, v3  }
0x29f: {  	v3 =	vor.u32 v3, v4  }
0x2a0: {  	v4 =	vperm.xlane v3, v0;
	_ =	sdelay $0x1  }
0x2a1: {  	v4 =	vadd.s32 v1, v4;
	_ =	sdelay $0x3  }
0x2a2: {  	s0 =	simm.s32 $0x400;
	v3 =	vperm.xlane v3, v2  }
0x2a3: {  	[tilespmem:s0], [sflag:$0x1] =	stream.indirect_vreg.gather [hbm4b:s2+s3], $0x80, v4, vm0, $0xb8;
	[tilespmem:$0x18400] =	vst v63  }
0x2a4: {  	v3 =	vadd.s32 v1, v3;
	s0 =	simm.s32 $0xC00  }
0x2a5: {  	[tilespmem:s0], [sflag:$0x1] =	stream.indirect_vreg.gather [hbm4b:s4+s3], $0x80, v4, vm0, $0xb8;
	[tilespmem:$0x18400] =	vst v63  }
0x2a6: {  	s0 =	simm.s32 $0x1400  }
0x2a7: {  	[tilespmem:s0], [sflag:$0x1] =	stream.indirect_vreg.gather [hbm4b:s5+s3], $0x80, v4, vm0, $0xb8;
	[tilespmem:$0x18400] =	vst v63  }
0x2a8: {  	s0 =	simm.s32 $0x1C00  }
0x2a9: {  	[tilespmem:s0], [sflag:$0x1] =	stream.indirect_vreg.gather [hbm4b:s2+s3], $0x80, v3, vm0, $0xb8;
	[tilespmem:$0x18400] =	vst v63  }
0x2aa: {  	s0 =	simm.s32 $0x2400  }
0x2ab: {  	[tilespmem:s0], [sflag:$0x1] =	stream.indirect_vreg.gather [hbm4b:s4+s3], $0x80, v3, vm0, $0xb8;
	[tilespmem:$0x18400] =	vst v63  }
0x2ac: {  	s0 =	simm.s32 $0x2C00  }
0x2ad: {  	[tilespmem:s0], [sflag:$0x1] =	stream.indirect_vreg.gather [hbm4b:s5+s3], $0x80, v3, vm0, $0xb8;
	[tilespmem:$0x18400] =	vst v63  }
0x2ae: {  	v3 =	vld [tilespmem:$0x210];
	_ =	sdelay $0x4  }
0x2af: {  	v33 =	vshrl.u32 v3, $0x3  }
0x2b0: {  	v4 =	vmul.u32 $0x30, v33  }
0x2b1: {  	v3 =	vand.u32 $0x7, v3  }
0x2b2: {  	v3 =	vor.u32 v3, v4  }
0x2b3: {  	v4 =	vperm.xlane v3, v0;
	_ =	sdelay $0x1  }
0x2b4: {  	v4 =	vadd.s32 v1, v4;
	_ =	sdelay $0x3  }
0x2b5: {  	s0 =	simm.s32 $0x3400;
	v3 =	vperm.xlane v3, v2  }
0x2b6: {  	[tilespmem:s0], [sflag:$0x1] =	stream.indirect_vreg.gather [hbm4b:s2+s3], $0x80, v4, vm0, $0xb8;
	[tilespmem:$0x18400] =	vst v63  }
0x2b7: {  	v3 =	vadd.s32 v1, v3;
	s0 =	simm.s32 $0x3C00  }
0x2b8: {  	[tilespmem:s0], [sflag:$0x1] =	stream.indirect_vreg.gather [hbm4b:s4+s3], $0x80, v4, vm0, $0xb8;
	[tilespmem:$0x18400] =	vst v63  }
0x2b9: {  	s0 =	simm.s32 $0x4400  }
0x2ba: {  	[tilespmem:s0], [sflag:$0x1] =	stream.indirect_vreg.gather [hbm4b:s5+s3], $0x80, v4, vm0, $0xb8;
	[tilespmem:$0x18400] =	vst v63  }
0x2bb: {  	s0 =	simm.s32 $0x4C00  }
0x2bc: {  	[tilespmem:s0], [sflag:$0x1] =	stream.indirect_vreg.gather [hbm4b:s2+s3], $0x80, v3, vm0, $0xb8;
	[tilespmem:$0x18400] =	vst v63  }
0x2bd: {  	s0 =	simm.s32 $0x5400  }
0x2be: {  	[tilespmem:s0], [sflag:$0x1] =	stream.indirect_vreg.gather [hbm4b:s4+s3], $0x80, v3, vm0, $0xb8;
	[tilespmem:$0x18400] =	vst v63  }
0x2bf: {  	s0 =	simm.s32 $0x5C00  }
0x2c0: {  	[tilespmem:s0], [sflag:$0x1] =	stream.indirect_vreg.gather [hbm4b:s5+s3], $0x80, v3, vm0, $0xb8;
	[tilespmem:$0x18400] =	vst v63  }
0x2c1: {  	_ =	swait.ge [sflag:s7], $0x6000  }
0x2c2: {  	[sflag:s7] =	ssyncset.done $0x0  }
0x2c3: {  	[sflag:s7] =	ssyncadd.s32 $0xFFFFA000  }
0x2c4: {  	v3 =	vld [tilespmem:$0x220];
	_ =	sdelay $0x4  }
0x2c5: {  	v34 =	vshrl.u32 v3, $0x3  }
0x2c6: {  	v4 =	vmul.u32 $0x30, v34  }
0x2c7: {  	v3 =	vand.u32 $0x7, v3  }
0x2c8: {  	v3 =	vor.u32 v3, v4  }
0x2c9: {  	v4 =	vperm.xlane v3, v0;
	_ =	sdelay $0x1  }
0x2ca: {  	v4 =	vadd.s32 v1, v4;
	_ =	sdelay $0x3  }
0x2cb: {  	s0 =	simm.s32 $0x6400;
	v3 =	vperm.xlane v3, v2  }
0x2cc: {  	[tilespmem:s0], [sflag:$0x2] =	stream.indirect_vreg.gather [hbm4b:s2+s3], $0x80, v4, vm0, $0xb8;
	[tilespmem:$0x18400] =	vst v63  }
0x2cd: {  	s23 =	simm.s32 $0x6C00;
	v3 =	vadd.s32 v1, v3  }
0x2ce: {  	[tilespmem:s23], [sflag:$0x2] =	stream.indirect_vreg.gather [hbm4b:s4+s3], $0x80, v4, vm0, $0xb8;
	[tilespmem:$0x18400] =	vst v63  }
0x2cf: {  	s24 =	simm.s32 $0x7400  }
0x2d0: {  	[tilespmem:s24], [sflag:$0x2] =	stream.indirect_vreg.gather [hbm4b:s5+s3], $0x80, v4, vm0, $0xb8;
	[tilespmem:$0x18400] =	vst v63  }
0x2d1: {  	s25 =	simm.s32 $0x7C00  }
0x2d2: {  	[tilespmem:s25], [sflag:$0x2] =	stream.indirect_vreg.gather [hbm4b:s2+s3], $0x80, v3, vm0, $0xb8;
	[tilespmem:$0x18400] =	vst v63  }
0x2d3: {  	s26 =	simm.s32 $0x8400  }
0x2d4: {  	[tilespmem:s26], [sflag:$0x2] =	stream.indirect_vreg.gather [hbm4b:s4+s3], $0x80, v3, vm0, $0xb8;
	[tilespmem:$0x18400] =	vst v63  }
0x2d5: {  	s23 =	simm.s32 $0x8C00  }
0x2d6: {  	[tilespmem:s23], [sflag:$0x2] =	stream.indirect_vreg.gather [hbm4b:s5+s3], $0x80, v3, vm0, $0xb8;
	[tilespmem:$0x18400] =	vst v63  }
0x2d7: {  	v3 =	vld [tilespmem:$0x230];
	_ =	sdelay $0x4  }
0x2d8: {  	v35 =	vshrl.u32 v3, $0x3  }
0x2d9: {  	v4 =	vmul.u32 $0x30, v35  }
0x2da: {  	v3 =	vand.u32 $0x7, v3  }
0x2db: {  	v3 =	vor.u32 v3, v4  }
0x2dc: {  	v4 =	vperm.xlane v3, v0;
	_ =	sdelay $0x1  }
0x2dd: {  	v4 =	vadd.s32 v1, v4;
	_ =	sdelay $0x3  }
0x2de: {  	s23 =	simm.s32 $0x9400;
	v3 =	vperm.xlane v3, v2  }
0x2df: {  	[tilespmem:s23], [sflag:$0x2] =	stream.indirect_vreg.gather [hbm4b:s2+s3], $0x80, v4, vm0, $0xb8;
	[tilespmem:$0x18400] =	vst v63  }
0x2e0: {  	s28 =	simm.s32 $0x9C00;
	v3 =	vadd.s32 v1, v3  }
0x2e1: {  	[tilespmem:s28], [sflag:$0x2] =	stream.indirect_vreg.gather [hbm4b:s4+s3], $0x80, v4, vm0, $0xb8;
	[tilespmem:$0x18400] =	vst v63  }
0x2e2: {  	s29 =	simm.s32 $0xA400  }
0x2e3: {  	[tilespmem:s29], [sflag:$0x2] =	stream.indirect_vreg.gather [hbm4b:s5+s3], $0x80, v4, vm0, $0xb8;
	[tilespmem:$0x18400] =	vst v63  }
0x2e4: {  	s30 =	simm.s32 $0xAC00  }
0x2e5: {  	[tilespmem:s30], [sflag:$0x2] =	stream.indirect_vreg.gather [hbm4b:s2+s3], $0x80, v3, vm0, $0xb8;
	[tilespmem:$0x18400] =	vst v63  }
0x2e6: {  	s31 =	simm.s32 $0xB400  }
0x2e7: {  	[tilespmem:s31], [sflag:$0x2] =	stream.indirect_vreg.gather [hbm4b:s4+s3], $0x80, v3, vm0, $0xb8;
	[tilespmem:$0x18400] =	vst v63  }
0x2e8: {  	s23 =	simm.s32 $0xBC00  }
0x2e9: {  	[tilespmem:s23], [sflag:$0x2] =	stream.indirect_vreg.gather [hbm4b:s5+s3], $0x80, v3, vm0, $0xb8;
	[tilespmem:$0x18400] =	vst v63  }
0x2ea: {  	_ =	swait.ge [sflag:s9], $0x6000  }
0x2eb: {  	[sflag:s9] =	ssyncset.done $0x0  }
0x2ec: {  	[sflag:s9] =	ssyncadd.s32 $0xFFFFA000  }
0x2ed: {  	v3 =	vld [tilespmem:$0x240];
	_ =	sdelay $0x4  }
0x2ee: {  	v36 =	vshrl.u32 v3, $0x3  }
0x2ef: {  	v4 =	vmul.u32 $0x30, v36  }
0x2f0: {  	v3 =	vand.u32 $0x7, v3  }
0x2f1: {  	v3 =	vor.u32 v3, v4  }
0x2f2: {  	v4 =	vperm.xlane v3, v0;
	_ =	sdelay $0x1  }
0x2f3: {  	v4 =	vadd.s32 v1, v4;
	_ =	sdelay $0x3  }
0x2f4: {  	s23 =	simm.s32 $0xC400;
	v3 =	vperm.xlane v3, v2  }
0x2f5: {  	[tilespmem:s23], [sflag:$0x3] =	stream.indirect_vreg.gather [hbm4b:s2+s3], $0x80, v4, vm0, $0xb8;
	[tilespmem:$0x18400] =	vst v63  }
0x2f6: {  	s21 =	simm.s32 $0xCC00;
	v3 =	vadd.s32 v1, v3  }
0x2f7: {  	[tilespmem:s21], [sflag:$0x3] =	stream.indirect_vreg.gather [hbm4b:s4+s3], $0x80, v4, vm0, $0xb8;
	[tilespmem:$0x18400] =	vst v63  }
0x2f8: {  	s23 =	simm.s32 $0xD400  }
0x2f9: {  	[tilespmem:s23], [sflag:$0x3] =	stream.indirect_vreg.gather [hbm4b:s5+s3], $0x80, v4, vm0, $0xb8;
	[tilespmem:$0x18400] =	vst v63  }
0x2fa: {  	s10 =	simm.s32 $0xDC00  }
0x2fb: {  	[tilespmem:s10], [sflag:$0x3] =	stream.indirect_vreg.gather [hbm4b:s2+s3], $0x80, v3, vm0, $0xb8;
	[tilespmem:$0x18400] =	vst v63  }
0x2fc: {  	s6 =	simm.s32 $0xE400  }
0x2fd: {  	[tilespmem:s6], [sflag:$0x3] =	stream.indirect_vreg.gather [hbm4b:s4+s3], $0x80, v3, vm0, $0xb8;
	[tilespmem:$0x18400] =	vst v63  }
0x2fe: {  	s0 =	simm.s32 $0xEC00  }
0x2ff: {  	[tilespmem:s0], [sflag:$0x3] =	stream.indirect_vreg.gather [hbm4b:s5+s3], $0x80, v3, vm0, $0xb8;
	[tilespmem:$0x18400] =	vst v63  }
0x300: {  	v3 =	vld [tilespmem:$0x250];
	_ =	sdelay $0x4  }
0x301: {  	v37 =	vshrl.u32 v3, $0x3  }
0x302: {  	v4 =	vmul.u32 $0x30, v37  }
0x303: {  	v3 =	vand.u32 $0x7, v3  }
0x304: {  	v3 =	vor.u32 v3, v4  }
0x305: {  	v4 =	vperm.xlane v3, v0;
	_ =	sdelay $0x1  }
0x306: {  	v4 =	vadd.s32 v1, v4;
	_ =	sdelay $0x3  }
0x307: {  	s17 =	simm.s32 $0xF400;
	v3 =	vperm.xlane v3, v2  }
0x308: {  	[tilespmem:s17], [sflag:$0x3] =	stream.indirect_vreg.gather [hbm4b:s2+s3], $0x80, v4, vm0, $0xb8;
	[tilespmem:$0x18400] =	vst v63  }
0x309: {  	s22 =	simm.s32 $0xFC00;
	v3 =	vadd.s32 v1, v3  }
0x30a: {  	[tilespmem:s22], [sflag:$0x3] =	stream.indirect_vreg.gather [hbm4b:s4+s3], $0x80, v4, vm0, $0xb8;
	[tilespmem:$0x18400] =	vst v63  }
0x30b: {  	s8 =	simm.s32 $0x10400  }
0x30c: {  	[tilespmem:s8], [sflag:$0x3] =	stream.indirect_vreg.gather [hbm4b:s5+s3], $0x80, v4, vm0, $0xb8;
	[tilespmem:$0x18400] =	vst v63  }
0x30d: {  	s0 =	simm.s32 $0x10C00  }
0x30e: {  	[tilespmem:s0], [sflag:$0x3] =	stream.indirect_vreg.gather [hbm4b:s2+s3], $0x80, v3, vm0, $0xb8;
	[tilespmem:$0x18400] =	vst v63  }
0x30f: {  	s11 =	simm.s32 $0x11400  }
0x310: {  	[tilespmem:s11], [sflag:$0x3] =	stream.indirect_vreg.gather [hbm4b:s4+s3], $0x80, v3, vm0, $0xb8;
	[tilespmem:$0x18400] =	vst v63  }
0x311: {  	s0 =	simm.s32 $0x11C00  }
0x312: {  	[tilespmem:s0], [sflag:$0x3] =	stream.indirect_vreg.gather [hbm4b:s5+s3], $0x80, v3, vm0, $0xb8;
	[tilespmem:$0x18400] =	vst v63  }
0x313: {  	_ =	swait.ge [sflag:s19], $0x6000  }
0x314: {  	[sflag:s19] =	ssyncset.done $0x0  }
0x315: {  	[sflag:s19] =	ssyncadd.s32 $0xFFFFA000  }
0x316: {  	v3 =	vld [tilespmem:$0x260];
	_ =	sdelay $0x4  }
0x317: {  	v38 =	vshrl.u32 v3, $0x3  }
0x318: {  	v4 =	vmul.u32 $0x30, v38  }
0x319: {  	v3 =	vand.u32 $0x7, v3  }
0x31a: {  	v3 =	vor.u32 v3, v4  }
0x31b: {  	v4 =	vperm.xlane v3, v0;
	_ =	sdelay $0x1  }
0x31c: {  	v4 =	vadd.s32 v1, v4;
	_ =	sdelay $0x3  }
0x31d: {  	s18 =	simm.s32 $0x12400;
	v3 =	vperm.xlane v3, v2  }
0x31e: {  	[tilespmem:s18], [sflag:$0x4] =	stream.indirect_vreg.gather [hbm4b:s2+s3], $0x80, v4, vm0, $0xb8;
	[tilespmem:$0x18400] =	vst v63  }
0x31f: {  	s0 =	simm.s32 $0x12C00;
	v3 =	vadd.s32 v1, v3  }
0x320: {  	[tilespmem:s0], [sflag:$0x4] =	stream.indirect_vreg.gather [hbm4b:s4+s3], $0x80, v4, vm0, $0xb8;
	[tilespmem:$0x18400] =	vst v63  }
0x321: {  	s12 =	simm.s32 $0x13400  }
0x322: {  	[tilespmem:s12], [sflag:$0x4] =	stream.indirect_vreg.gather [hbm4b:s5+s3], $0x80, v4, vm0, $0xb8;
	[tilespmem:$0x18400] =	vst v63  }
0x323: {  	s0 =	simm.s32 $0x13C00  }
0x324: {  	[tilespmem:s0], [sflag:$0x4] =	stream.indirect_vreg.gather [hbm4b:s2+s3], $0x80, v3, vm0, $0xb8;
	[tilespmem:$0x18400] =	vst v63  }
0x325: {  	s13 =	simm.s32 $0x14400  }
0x326: {  	[tilespmem:s13], [sflag:$0x4] =	stream.indirect_vreg.gather [hbm4b:s4+s3], $0x80, v3, vm0, $0xb8;
	[tilespmem:$0x18400] =	vst v63  }
0x327: {  	s0 =	simm.s32 $0x14C00  }
0x328: {  	[tilespmem:s0], [sflag:$0x4] =	stream.indirect_vreg.gather [hbm4b:s5+s3], $0x80, v3, vm0, $0xb8;
	[tilespmem:$0x18400] =	vst v63  }
0x329: {  	v3 =	vld [tilespmem:$0x270];
	_ =	sdelay $0x4  }
0x32a: {  	v39 =	vshrl.u32 v3, $0x3  }
0x32b: {  	v4 =	vmul.u32 $0x30, v39  }
0x32c: {  	v3 =	vand.u32 $0x7, v3  }
0x32d: {  	v3 =	vor.u32 v3, v4  }
0x32e: {  	v4 =	vperm.xlane v3, v0;
	_ =	sdelay $0x1  }
0x32f: {  	v4 =	vadd.s32 v1, v4;
	_ =	sdelay $0x3  }
0x330: {  	s20 =	simm.s32 $0x15400;
	v3 =	vperm.xlane v3, v2  }
0x331: {  	[tilespmem:s20], [sflag:$0x4] =	stream.indirect_vreg.gather [hbm4b:s2+s3], $0x80, v4, vm0, $0xb8;
	[tilespmem:$0x18400] =	vst v63  }
0x332: {  	s0 =	simm.s32 $0x15C00;
	v3 =	vadd.s32 v1, v3  }
0x333: {  	[tilespmem:s0], [sflag:$0x4] =	stream.indirect_vreg.gather [hbm4b:s4+s3], $0x80, v4, vm0, $0xb8;
	[tilespmem:$0x18400] =	vst v63  }
0x334: {  	s14 =	simm.s32 $0x16400  }
0x335: {  	[tilespmem:s14], [sflag:$0x4] =	stream.indirect_vreg.gather [hbm4b:s5+s3], $0x80, v4, vm0, $0xb8;
	[tilespmem:$0x18400] =	vst v63  }
0x336: {  	s0 =	simm.s32 $0x16C00  }
0x337: {  	[tilespmem:s0], [sflag:$0x4] =	stream.indirect_vreg.gather [hbm4b:s2+s3], $0x80, v3, vm0, $0xb8;
	[tilespmem:$0x18400] =	vst v63  }
0x338: {  	s15 =	simm.s32 $0x17400  }
0x339: {  	[tilespmem:s15], [sflag:$0x4] =	stream.indirect_vreg.gather [hbm4b:s4+s3], $0x80, v3, vm0, $0xb8;
	[tilespmem:$0x18400] =	vst v63  }
0x33a: {  	s16 =	simm.s32 $0x17C00  }
0x33b: {  	[tilespmem:s16], [sflag:$0x4] =	stream.indirect_vreg.gather [hbm4b:s5+s3], $0x80, v3, vm0, $0xb8;
	[tilespmem:$0x18400] =	vst v63  }
0x33c: {  	_ =	swait.ge [sflag:s1], $0x6000  }
0x33d: {  	[sflag:s1] =	ssyncset.done $0x0  }
0x33e: {  	[sflag:s1] =	ssyncadd.s32 $0xFFFFA000  }
0x33f: {  	v3 =	vld [tilespmem:$0x280];
	_ =	sdelay $0x4  }
0x340: {  	v40 =	vshrl.u32 v3, $0x3  }
0x341: {  	v4 =	vmul.u32 $0x30, v40  }
0x342: {  	v3 =	vand.u32 $0x7, v3  }
0x343: {  	v3 =	vor.u32 v3, v4  }
0x344: {  	v4 =	vperm.xlane v3, v0;
	_ =	sdelay $0x1  }
0x345: {  	v4 =	vadd.s32 v1, v4;
	_ =	sdelay $0x3  }
0x346: {  	s0 =	simm.s32 $0x400;
	v3 =	vperm.xlane v3, v2  }
0x347: {  	[tilespmem:s0], [sflag:$0x1] =	stream.indirect_vreg.gather [hbm4b:s2+s3], $0x80, v4, vm0, $0xb8;
	[tilespmem:$0x18400] =	vst v63  }
0x348: {  	v3 =	vadd.s32 v1, v3;
	s0 =	simm.s32 $0xC00  }
0x349: {  	[tilespmem:s0], [sflag:$0x1] =	stream.indirect_vreg.gather [hbm4b:s4+s3], $0x80, v4, vm0, $0xb8;
	[tilespmem:$0x18400] =	vst v63  }
0x34a: {  	s0 =	simm.s32 $0x1400  }
0x34b: {  	[tilespmem:s0], [sflag:$0x1] =	stream.indirect_vreg.gather [hbm4b:s5+s3], $0x80, v4, vm0, $0xb8;
	[tilespmem:$0x18400] =	vst v63  }
0x34c: {  	s0 =	simm.s32 $0x1C00  }
0x34d: {  	[tilespmem:s0], [sflag:$0x1] =	stream.indirect_vreg.gather [hbm4b:s2+s3], $0x80, v3, vm0, $0xb8;
	[tilespmem:$0x18400] =	vst v63  }
0x34e: {  	s0 =	simm.s32 $0x2400  }
0x34f: {  	[tilespmem:s0], [sflag:$0x1] =	stream.indirect_vreg.gather [hbm4b:s4+s3], $0x80, v3, vm0, $0xb8;
	[tilespmem:$0x18400] =	vst v63  }
0x350: {  	s0 =	simm.s32 $0x2C00  }
0x351: {  	[tilespmem:s0], [sflag:$0x1] =	stream.indirect_vreg.gather [hbm4b:s5+s3], $0x80, v3, vm0, $0xb8;
	[tilespmem:$0x18400] =	vst v63  }
0x352: {  	v3 =	vld [tilespmem:$0x290];
	_ =	sdelay $0x4  }
0x353: {  	v41 =	vshrl.u32 v3, $0x3  }
0x354: {  	v4 =	vmul.u32 $0x30, v41  }
0x355: {  	v3 =	vand.u32 $0x7, v3  }
0x356: {  	v3 =	vor.u32 v3, v4  }
0x357: {  	v4 =	vperm.xlane v3, v0;
	_ =	sdelay $0x1  }
0x358: {  	v4 =	vadd.s32 v1, v4;
	_ =	sdelay $0x3  }
0x359: {  	s0 =	simm.s32 $0x3400;
	v3 =	vperm.xlane v3, v2  }
0x35a: {  	[tilespmem:s0], [sflag:$0x1] =	stream.indirect_vreg.gather [hbm4b:s2+s3], $0x80, v4, vm0, $0xb8;
	[tilespmem:$0x18400] =	vst v63  }
0x35b: {  	v3 =	vadd.s32 v1, v3;
	s0 =	simm.s32 $0x3C00  }
0x35c: {  	[tilespmem:s0], [sflag:$0x1] =	stream.indirect_vreg.gather [hbm4b:s4+s3], $0x80, v4, vm0, $0xb8;
	[tilespmem:$0x18400] =	vst v63  }
0x35d: {  	s0 =	simm.s32 $0x4400  }
0x35e: {  	[tilespmem:s0], [sflag:$0x1] =	stream.indirect_vreg.gather [hbm4b:s5+s3], $0x80, v4, vm0, $0xb8;
	[tilespmem:$0x18400] =	vst v63  }
0x35f: {  	s0 =	simm.s32 $0x4C00  }
0x360: {  	[tilespmem:s0], [sflag:$0x1] =	stream.indirect_vreg.gather [hbm4b:s2+s3], $0x80, v3, vm0, $0xb8;
	[tilespmem:$0x18400] =	vst v63  }
0x361: {  	s0 =	simm.s32 $0x5400  }
0x362: {  	[tilespmem:s0], [sflag:$0x1] =	stream.indirect_vreg.gather [hbm4b:s4+s3], $0x80, v3, vm0, $0xb8;
	[tilespmem:$0x18400] =	vst v63  }
0x363: {  	s0 =	simm.s32 $0x5C00  }
0x364: {  	[tilespmem:s0], [sflag:$0x1] =	stream.indirect_vreg.gather [hbm4b:s5+s3], $0x80, v3, vm0, $0xb8;
	[tilespmem:$0x18400] =	vst v63  }
0x365: {  	_ =	swait.ge [sflag:s7], $0x6000  }
0x366: {  	[sflag:s7] =	ssyncset.done $0x0  }
0x367: {  	[sflag:s7] =	ssyncadd.s32 $0xFFFFA000  }
0x368: {  	v3 =	vld [tilespmem:$0x2A0];
	_ =	sdelay $0x4  }
0x369: {  	v42 =	vshrl.u32 v3, $0x3  }
0x36a: {  	v4 =	vmul.u32 $0x30, v42  }
0x36b: {  	v3 =	vand.u32 $0x7, v3  }
0x36c: {  	v3 =	vor.u32 v3, v4  }
0x36d: {  	v4 =	vperm.xlane v3, v0;
	_ =	sdelay $0x1  }
0x36e: {  	v4 =	vadd.s32 v1, v4;
	_ =	sdelay $0x3  }
0x36f: {  	s0 =	simm.s32 $0x6400;
	v3 =	vperm.xlane v3, v2  }
0x370: {  	[tilespmem:s0], [sflag:$0x2] =	stream.indirect_vreg.gather [hbm4b:s2+s3], $0x80, v4, vm0, $0xb8;
	[tilespmem:$0x18400] =	vst v63  }
0x371: {  	v3 =	vadd.s32 v1, v3;
	s0 =	simm.s32 $0x6C00  }
0x372: {  	[tilespmem:s0], [sflag:$0x2] =	stream.indirect_vreg.gather [hbm4b:s4+s3], $0x80, v4, vm0, $0xb8;
	[tilespmem:$0x18400] =	vst v63  }
0x373: {  	s24 =	simm.s32 $0x7400  }
0x374: {  	[tilespmem:s24], [sflag:$0x2] =	stream.indirect_vreg.gather [hbm4b:s5+s3], $0x80, v4, vm0, $0xb8;
	[tilespmem:$0x18400] =	vst v63  }
0x375: {  	s25 =	simm.s32 $0x7C00  }
0x376: {  	[tilespmem:s25], [sflag:$0x2] =	stream.indirect_vreg.gather [hbm4b:s2+s3], $0x80, v3, vm0, $0xb8;
	[tilespmem:$0x18400] =	vst v63  }
0x377: {  	s26 =	simm.s32 $0x8400  }
0x378: {  	[tilespmem:s26], [sflag:$0x2] =	stream.indirect_vreg.gather [hbm4b:s4+s3], $0x80, v3, vm0, $0xb8;
	[tilespmem:$0x18400] =	vst v63  }
0x379: {  	s25 =	simm.s32 $0x8C00  }
0x37a: {  	[tilespmem:s25], [sflag:$0x2] =	stream.indirect_vreg.gather [hbm4b:s5+s3], $0x80, v3, vm0, $0xb8;
	[tilespmem:$0x18400] =	vst v63  }
0x37b: {  	v3 =	vld [tilespmem:$0x2B0];
	_ =	sdelay $0x4  }
0x37c: {  	v43 =	vshrl.u32 v3, $0x3  }
0x37d: {  	v4 =	vmul.u32 $0x30, v43  }
0x37e: {  	v3 =	vand.u32 $0x7, v3  }
0x37f: {  	v3 =	vor.u32 v3, v4  }
0x380: {  	v4 =	vperm.xlane v3, v0;
	_ =	sdelay $0x1  }
0x381: {  	v4 =	vadd.s32 v1, v4;
	_ =	sdelay $0x3  }
0x382: {  	s26 =	simm.s32 $0x9400;
	v3 =	vperm.xlane v3, v2  }
0x383: {  	[tilespmem:s26], [sflag:$0x2] =	stream.indirect_vreg.gather [hbm4b:s2+s3], $0x80, v4, vm0, $0xb8;
	[tilespmem:$0x18400] =	vst v63  }
0x384: {  	s28 =	simm.s32 $0x9C00;
	v3 =	vadd.s32 v1, v3  }
0x385: {  	[tilespmem:s28], [sflag:$0x2] =	stream.indirect_vreg.gather [hbm4b:s4+s3], $0x80, v4, vm0, $0xb8;
	[tilespmem:$0x18400] =	vst v63  }
0x386: {  	s29 =	simm.s32 $0xA400  }
0x387: {  	[tilespmem:s29], [sflag:$0x2] =	stream.indirect_vreg.gather [hbm4b:s5+s3], $0x80, v4, vm0, $0xb8;
	[tilespmem:$0x18400] =	vst v63  }
0x388: {  	s30 =	simm.s32 $0xAC00  }
0x389: {  	[tilespmem:s30], [sflag:$0x2] =	stream.indirect_vreg.gather [hbm4b:s2+s3], $0x80, v3, vm0, $0xb8;
	[tilespmem:$0x18400] =	vst v63  }
0x38a: {  	s31 =	simm.s32 $0xB400  }
0x38b: {  	[tilespmem:s31], [sflag:$0x2] =	stream.indirect_vreg.gather [hbm4b:s4+s3], $0x80, v3, vm0, $0xb8;
	[tilespmem:$0x18400] =	vst v63  }
0x38c: {  	s28 =	simm.s32 $0xBC00  }
0x38d: {  	[tilespmem:s28], [sflag:$0x2] =	stream.indirect_vreg.gather [hbm4b:s5+s3], $0x80, v3, vm0, $0xb8;
	[tilespmem:$0x18400] =	vst v63  }
0x38e: {  	_ =	swait.ge [sflag:s9], $0x6000  }
0x38f: {  	[sflag:s9] =	ssyncset.done $0x0  }
0x390: {  	[sflag:s9] =	ssyncadd.s32 $0xFFFFA000  }
0x391: {  	v3 =	vld [tilespmem:$0x2C0];
	_ =	sdelay $0x4  }
0x392: {  	v44 =	vshrl.u32 v3, $0x3  }
0x393: {  	v4 =	vmul.u32 $0x30, v44  }
0x394: {  	v3 =	vand.u32 $0x7, v3  }
0x395: {  	v3 =	vor.u32 v3, v4  }
0x396: {  	v4 =	vperm.xlane v3, v0;
	_ =	sdelay $0x1  }
0x397: {  	v4 =	vadd.s32 v1, v4;
	_ =	sdelay $0x3  }
0x398: {  	s29 =	simm.s32 $0xC400;
	v3 =	vperm.xlane v3, v2  }
0x399: {  	[tilespmem:s29], [sflag:$0x3] =	stream.indirect_vreg.gather [hbm4b:s2+s3], $0x80, v4, vm0, $0xb8;
	[tilespmem:$0x18400] =	vst v63  }
0x39a: {  	s21 =	simm.s32 $0xCC00;
	v3 =	vadd.s32 v1, v3  }
0x39b: {  	[tilespmem:s21], [sflag:$0x3] =	stream.indirect_vreg.gather [hbm4b:s4+s3], $0x80, v4, vm0, $0xb8;
	[tilespmem:$0x18400] =	vst v63  }
0x39c: {  	s30 =	simm.s32 $0xD400  }
0x39d: {  	[tilespmem:s30], [sflag:$0x3] =	stream.indirect_vreg.gather [hbm4b:s5+s3], $0x80, v4, vm0, $0xb8;
	[tilespmem:$0x18400] =	vst v63  }
0x39e: {  	s23 =	simm.s32 $0xDC00  }
0x39f: {  	[tilespmem:s23], [sflag:$0x3] =	stream.indirect_vreg.gather [hbm4b:s2+s3], $0x80, v3, vm0, $0xb8;
	[tilespmem:$0x18400] =	vst v63  }
0x3a0: {  	s6 =	simm.s32 $0xE400  }
0x3a1: {  	[tilespmem:s6], [sflag:$0x3] =	stream.indirect_vreg.gather [hbm4b:s4+s3], $0x80, v3, vm0, $0xb8;
	[tilespmem:$0x18400] =	vst v63  }
0x3a2: {  	s31 =	simm.s32 $0xEC00  }
0x3a3: {  	[tilespmem:s31], [sflag:$0x3] =	stream.indirect_vreg.gather [hbm4b:s5+s3], $0x80, v3, vm0, $0xb8;
	[tilespmem:$0x18400] =	vst v63  }
0x3a4: {  	v3 =	vld [tilespmem:$0x2D0];
	_ =	sdelay $0x4  }
0x3a5: {  	v45 =	vshrl.u32 v3, $0x3  }
0x3a6: {  	v4 =	vmul.u32 $0x30, v45  }
0x3a7: {  	v3 =	vand.u32 $0x7, v3  }
0x3a8: {  	v3 =	vor.u32 v3, v4  }
0x3a9: {  	v4 =	vperm.xlane v3, v0;
	_ =	sdelay $0x1  }
0x3aa: {  	v4 =	vadd.s32 v1, v4;
	_ =	sdelay $0x3  }
0x3ab: {  	s17 =	simm.s32 $0xF400;
	v3 =	vperm.xlane v3, v2  }
0x3ac: {  	[tilespmem:s17], [sflag:$0x3] =	stream.indirect_vreg.gather [hbm4b:s2+s3], $0x80, v4, vm0, $0xb8;
	[tilespmem:$0x18400] =	vst v63  }
0x3ad: {  	s22 =	simm.s32 $0xFC00;
	v3 =	vadd.s32 v1, v3  }
0x3ae: {  	[tilespmem:s22], [sflag:$0x3] =	stream.indirect_vreg.gather [hbm4b:s4+s3], $0x80, v4, vm0, $0xb8;
	[tilespmem:$0x18400] =	vst v63  }
0x3af: {  	s10 =	simm.s32 $0x10400  }
0x3b0: {  	[tilespmem:s10], [sflag:$0x3] =	stream.indirect_vreg.gather [hbm4b:s5+s3], $0x80, v4, vm0, $0xb8;
	[tilespmem:$0x18400] =	vst v63  }
0x3b1: {  	s22 =	simm.s32 $0x10C00  }
0x3b2: {  	[tilespmem:s22], [sflag:$0x3] =	stream.indirect_vreg.gather [hbm4b:s2+s3], $0x80, v3, vm0, $0xb8;
	[tilespmem:$0x18400] =	vst v63  }
0x3b3: {  	s8 =	simm.s32 $0x11400  }
0x3b4: {  	[tilespmem:s8], [sflag:$0x3] =	stream.indirect_vreg.gather [hbm4b:s4+s3], $0x80, v3, vm0, $0xb8;
	[tilespmem:$0x18400] =	vst v63  }
0x3b5: {  	s26 =	simm.s32 $0x11C00  }
0x3b6: {  	[tilespmem:s26], [sflag:$0x3] =	stream.indirect_vreg.gather [hbm4b:s5+s3], $0x80, v3, vm0, $0xb8;
	[tilespmem:$0x18400] =	vst v63  }
0x3b7: {  	_ =	swait.ge [sflag:s19], $0x6000  }
0x3b8: {  	[sflag:s19] =	ssyncset.done $0x0  }
0x3b9: {  	[sflag:s19] =	ssyncadd.s32 $0xFFFFA000  }
0x3ba: {  	v3 =	vld [tilespmem:$0x2E0];
	_ =	sdelay $0x4  }
0x3bb: {  	v46 =	vshrl.u32 v3, $0x3  }
0x3bc: {  	v4 =	vmul.u32 $0x30, v46  }
0x3bd: {  	v3 =	vand.u32 $0x7, v3  }
0x3be: {  	v3 =	vor.u32 v3, v4  }
0x3bf: {  	v4 =	vperm.xlane v3, v0;
	_ =	sdelay $0x1  }
0x3c0: {  	v4 =	vadd.s32 v1, v4;
	_ =	sdelay $0x3  }
0x3c1: {  	s18 =	simm.s32 $0x12400;
	v3 =	vperm.xlane v3, v2  }
0x3c2: {  	[tilespmem:s18], [sflag:$0x4] =	stream.indirect_vreg.gather [hbm4b:s2+s3], $0x80, v4, vm0, $0xb8;
	[tilespmem:$0x18400] =	vst v63  }
0x3c3: {  	s28 =	simm.s32 $0x12C00;
	v3 =	vadd.s32 v1, v3  }
0x3c4: {  	[tilespmem:s28], [sflag:$0x4] =	stream.indirect_vreg.gather [hbm4b:s4+s3], $0x80, v4, vm0, $0xb8;
	[tilespmem:$0x18400] =	vst v63  }
0x3c5: {  	s11 =	simm.s32 $0x13400  }
0x3c6: {  	[tilespmem:s11], [sflag:$0x4] =	stream.indirect_vreg.gather [hbm4b:s5+s3], $0x80, v4, vm0, $0xb8;
	[tilespmem:$0x18400] =	vst v63  }
0x3c7: {  	s29 =	simm.s32 $0x13C00  }
0x3c8: {  	[tilespmem:s29], [sflag:$0x4] =	stream.indirect_vreg.gather [hbm4b:s2+s3], $0x80, v3, vm0, $0xb8;
	[tilespmem:$0x18400] =	vst v63  }
0x3c9: {  	s12 =	simm.s32 $0x14400  }
0x3ca: {  	[tilespmem:s12], [sflag:$0x4] =	stream.indirect_vreg.gather [hbm4b:s4+s3], $0x80, v3, vm0, $0xb8;
	[tilespmem:$0x18400] =	vst v63  }
0x3cb: {  	s30 =	simm.s32 $0x14C00  }
0x3cc: {  	[tilespmem:s30], [sflag:$0x4] =	stream.indirect_vreg.gather [hbm4b:s5+s3], $0x80, v3, vm0, $0xb8;
	[tilespmem:$0x18400] =	vst v63  }
0x3cd: {  	v3 =	vld [tilespmem:$0x2F0];
	_ =	sdelay $0x4  }
0x3ce: {  	v47 =	vshrl.u32 v3, $0x3  }
0x3cf: {  	v4 =	vmul.u32 $0x30, v47  }
0x3d0: {  	v3 =	vand.u32 $0x7, v3  }
0x3d1: {  	v3 =	vor.u32 v3, v4  }
0x3d2: {  	v4 =	vperm.xlane v3, v0;
	_ =	sdelay $0x1  }
0x3d3: {  	v4 =	vadd.s32 v1, v4;
	_ =	sdelay $0x3  }
0x3d4: {  	s20 =	simm.s32 $0x15400;
	v3 =	vperm.xlane v3, v2  }
0x3d5: {  	[tilespmem:s20], [sflag:$0x4] =	stream.indirect_vreg.gather [hbm4b:s2+s3], $0x80, v4, vm0, $0xb8;
	[tilespmem:$0x18400] =	vst v63  }
0x3d6: {  	s31 =	simm.s32 $0x15C00;
	v3 =	vadd.s32 v1, v3  }
0x3d7: {  	[tilespmem:s31], [sflag:$0x4] =	stream.indirect_vreg.gather [hbm4b:s4+s3], $0x80, v4, vm0, $0xb8;
	[tilespmem:$0x18400] =	vst v63  }
0x3d8: {  	s13 =	simm.s32 $0x16400  }
0x3d9: {  	[tilespmem:s13], [sflag:$0x4] =	stream.indirect_vreg.gather [hbm4b:s5+s3], $0x80, v4, vm0, $0xb8;
	[tilespmem:$0x18400] =	vst v63  }
0x3da: {  	s11 =	simm.s32 $0x16C00  }
0x3db: {  	[tilespmem:s11], [sflag:$0x4] =	stream.indirect_vreg.gather [hbm4b:s2+s3], $0x80, v3, vm0, $0xb8;
	[tilespmem:$0x18400] =	vst v63  }
0x3dc: {  	s14 =	simm.s32 $0x17400  }
0x3dd: {  	[tilespmem:s14], [sflag:$0x4] =	stream.indirect_vreg.gather [hbm4b:s4+s3], $0x80, v3, vm0, $0xb8;
	[tilespmem:$0x18400] =	vst v63  }
0x3de: {  	s15 =	simm.s32 $0x17C00  }
0x3df: {  	[tilespmem:s15], [sflag:$0x4] =	stream.indirect_vreg.gather [hbm4b:s5+s3], $0x80, v3, vm0, $0xb8;
	[tilespmem:$0x18400] =	vst v63  }
0x3e0: {  	_ =	swait.ge [sflag:s1], $0x6000  }
0x3e1: {  	[sflag:s1] =	ssyncset.done $0x0  }
0x3e2: {  	[sflag:s1] =	ssyncadd.s32 $0xFFFFA000  }
0x3e3: {  	v3 =	vld [tilespmem:$0x300];
	_ =	sdelay $0x4  }
0x3e4: {  	v48 =	vshrl.u32 v3, $0x3  }
0x3e5: {  	v4 =	vmul.u32 $0x30, v48  }
0x3e6: {  	v3 =	vand.u32 $0x7, v3  }
0x3e7: {  	v3 =	vor.u32 v3, v4  }
0x3e8: {  	v4 =	vperm.xlane v3, v0;
	_ =	sdelay $0x1  }
0x3e9: {  	v4 =	vadd.s32 v1, v4;
	_ =	sdelay $0x3  }
0x3ea: {  	s16 =	simm.s32 $0x400;
	v3 =	vperm.xlane v3, v2  }
0x3eb: {  	[tilespmem:s16], [sflag:$0x1] =	stream.indirect_vreg.gather [hbm4b:s2+s3], $0x80, v4, vm0, $0xb8;
	[tilespmem:$0x18400] =	vst v63  }
0x3ec: {  	s22 =	simm.s32 $0xC00;
	v3 =	vadd.s32 v1, v3  }
0x3ed: {  	[tilespmem:s22], [sflag:$0x1] =	stream.indirect_vreg.gather [hbm4b:s4+s3], $0x80, v4, vm0, $0xb8;
	[tilespmem:$0x18400] =	vst v63  }
0x3ee: {  	s26 =	simm.s32 $0x1400  }
0x3ef: {  	[tilespmem:s26], [sflag:$0x1] =	stream.indirect_vreg.gather [hbm4b:s5+s3], $0x80, v4, vm0, $0xb8;
	[tilespmem:$0x18400] =	vst v63  }
0x3f0: {  	s28 =	simm.s32 $0x1C00  }
0x3f1: {  	[tilespmem:s28], [sflag:$0x1] =	stream.indirect_vreg.gather [hbm4b:s2+s3], $0x80, v3, vm0, $0xb8;
	[tilespmem:$0x18400] =	vst v63  }
0x3f2: {  	s29 =	simm.s32 $0x2400  }
0x3f3: {  	[tilespmem:s29], [sflag:$0x1] =	stream.indirect_vreg.gather [hbm4b:s4+s3], $0x80, v3, vm0, $0xb8;
	[tilespmem:$0x18400] =	vst v63  }
0x3f4: {  	s30 =	simm.s32 $0x2C00  }
0x3f5: {  	[tilespmem:s30], [sflag:$0x1] =	stream.indirect_vreg.gather [hbm4b:s5+s3], $0x80, v3, vm0, $0xb8;
	[tilespmem:$0x18400] =	vst v63  }
0x3f6: {  	v3 =	vld [tilespmem:$0x310];
	_ =	sdelay $0x4  }
0x3f7: {  	v49 =	vshrl.u32 v3, $0x3  }
0x3f8: {  	v4 =	vmul.u32 $0x30, v49  }
0x3f9: {  	v3 =	vand.u32 $0x7, v3  }
0x3fa: {  	v3 =	vor.u32 v3, v4  }
0x3fb: {  	v4 =	vperm.xlane v3, v0;
	_ =	sdelay $0x1  }
0x3fc: {  	v4 =	vadd.s32 v1, v4;
	_ =	sdelay $0x3  }
0x3fd: {  	s31 =	simm.s32 $0x3400;
	v3 =	vperm.xlane v3, v2  }
0x3fe: {  	[tilespmem:s31], [sflag:$0x1] =	stream.indirect_vreg.gather [hbm4b:s2+s3], $0x80, v4, vm0, $0xb8;
	[tilespmem:$0x18400] =	vst v63  }
0x3ff: {  	s11 =	simm.s32 $0x3C00;
	v3 =	vadd.s32 v1, v3  }
0x400: {  	[tilespmem:s11], [sflag:$0x1] =	stream.indirect_vreg.gather [hbm4b:s4+s3], $0x80, v4, vm0, $0xb8;
	[tilespmem:$0x18400] =	vst v63  }
0x401: {  	s15 =	simm.s32 $0x4400  }
0x402: {  	[tilespmem:s15], [sflag:$0x1] =	stream.indirect_vreg.gather [hbm4b:s5+s3], $0x80, v4, vm0, $0xb8;
	[tilespmem:$0x18400] =	vst v63  }
0x403: {  	s16 =	simm.s32 $0x4C00  }
0x404: {  	[tilespmem:s16], [sflag:$0x1] =	stream.indirect_vreg.gather [hbm4b:s2+s3], $0x80, v3, vm0, $0xb8;
	[tilespmem:$0x18400] =	vst v63  }
0x405: {  	s22 =	simm.s32 $0x5400  }
0x406: {  	[tilespmem:s22], [sflag:$0x1] =	stream.indirect_vreg.gather [hbm4b:s4+s3], $0x80, v3, vm0, $0xb8;
	[tilespmem:$0x18400] =	vst v63  }
0x407: {  	s26 =	simm.s32 $0x5C00  }
0x408: {  	[tilespmem:s26], [sflag:$0x1] =	stream.indirect_vreg.gather [hbm4b:s5+s3], $0x80, v3, vm0, $0xb8;
	[tilespmem:$0x18400] =	vst v63  }
0x409: {  	_ =	swait.ge [sflag:s7], $0x6000  }
0x40a: {  	[sflag:s7] =	ssyncset.done $0x0  }
0x40b: {  	[sflag:s7] =	ssyncadd.s32 $0xFFFFA000  }
0x40c: {  	v3 =	vld [tilespmem:$0x320];
	_ =	sdelay $0x4  }
0x40d: {  	v50 =	vshrl.u32 v3, $0x3  }
0x40e: {  	v4 =	vmul.u32 $0x30, v50  }
0x40f: {  	v3 =	vand.u32 $0x7, v3  }
0x410: {  	v3 =	vor.u32 v3, v4  }
0x411: {  	v4 =	vperm.xlane v3, v0;
	_ =	sdelay $0x1  }
0x412: {  	v4 =	vadd.s32 v1, v4;
	_ =	sdelay $0x3  }
0x413: {  	s28 =	simm.s32 $0x6400;
	v3 =	vperm.xlane v3, v2  }
0x414: {  	[tilespmem:s28], [sflag:$0x2] =	stream.indirect_vreg.gather [hbm4b:s2+s3], $0x80, v4, vm0, $0xb8;
	[tilespmem:$0x18400] =	vst v63  }
0x415: {  	s29 =	simm.s32 $0x6C00;
	v3 =	vadd.s32 v1, v3  }
0x416: {  	[tilespmem:s29], [sflag:$0x2] =	stream.indirect_vreg.gather [hbm4b:s4+s3], $0x80, v4, vm0, $0xb8;
	[tilespmem:$0x18400] =	vst v63  }
0x417: {  	s30 =	simm.s32 $0x7400  }
0x418: {  	[tilespmem:s30], [sflag:$0x2] =	stream.indirect_vreg.gather [hbm4b:s5+s3], $0x80, v4, vm0, $0xb8;
	[tilespmem:$0x18400] =	vst v63  }
0x419: {  	s31 =	simm.s32 $0x7C00  }
0x41a: {  	[tilespmem:s31], [sflag:$0x2] =	stream.indirect_vreg.gather [hbm4b:s2+s3], $0x80, v3, vm0, $0xb8;
	[tilespmem:$0x18400] =	vst v63  }
0x41b: {  	s11 =	simm.s32 $0x8400  }
0x41c: {  	[tilespmem:s11], [sflag:$0x2] =	stream.indirect_vreg.gather [hbm4b:s4+s3], $0x80, v3, vm0, $0xb8;
	[tilespmem:$0x18400] =	vst v63  }
0x41d: {  	s16 =	simm.s32 $0x8C00  }
0x41e: {  	[tilespmem:s16], [sflag:$0x2] =	stream.indirect_vreg.gather [hbm4b:s5+s3], $0x80, v3, vm0, $0xb8;
	[tilespmem:$0x18400] =	vst v63  }
0x41f: {  	v3 =	vld [tilespmem:$0x330];
	_ =	sdelay $0x4  }
0x420: {  	v51 =	vshrl.u32 v3, $0x3  }
0x421: {  	v4 =	vmul.u32 $0x30, v51  }
0x422: {  	v3 =	vand.u32 $0x7, v3  }
0x423: {  	v3 =	vor.u32 v3, v4  }
0x424: {  	v4 =	vperm.xlane v3, v0;
	_ =	sdelay $0x1  }
0x425: {  	v4 =	vadd.s32 v1, v4;
	_ =	sdelay $0x3  }
0x426: {  	s29 =	simm.s32 $0x9400;
	v3 =	vperm.xlane v3, v2  }
0x427: {  	[tilespmem:s29], [sflag:$0x2] =	stream.indirect_vreg.gather [hbm4b:s2+s3], $0x80, v4, vm0, $0xb8;
	[tilespmem:$0x18400] =	vst v63  }
0x428: {  	s30 =	simm.s32 $0x9C00;
	v3 =	vadd.s32 v1, v3  }
0x429: {  	[tilespmem:s30], [sflag:$0x2] =	stream.indirect_vreg.gather [hbm4b:s4+s3], $0x80, v4, vm0, $0xb8;
	[tilespmem:$0x18400] =	vst v63  }
0x42a: {  	s31 =	simm.s32 $0xA400  }
0x42b: {  	[tilespmem:s31], [sflag:$0x2] =	stream.indirect_vreg.gather [hbm4b:s5+s3], $0x80, v4, vm0, $0xb8;
	[tilespmem:$0x18400] =	vst v63  }
0x42c: {  	s11 =	simm.s32 $0xAC00  }
0x42d: {  	[tilespmem:s11], [sflag:$0x2] =	stream.indirect_vreg.gather [hbm4b:s2+s3], $0x80, v3, vm0, $0xb8;
	[tilespmem:$0x18400] =	vst v63  }
0x42e: {  	s16 =	simm.s32 $0xB400  }
0x42f: {  	[tilespmem:s16], [sflag:$0x2] =	stream.indirect_vreg.gather [hbm4b:s4+s3], $0x80, v3, vm0, $0xb8;
	[tilespmem:$0x18400] =	vst v63  }
0x430: {  	s11 =	simm.s32 $0xBC00  }
0x431: {  	[tilespmem:s11], [sflag:$0x2] =	stream.indirect_vreg.gather [hbm4b:s5+s3], $0x80, v3, vm0, $0xb8;
	[tilespmem:$0x18400] =	vst v63  }
0x432: {  	_ =	swait.ge [sflag:s9], $0x6000  }
0x433: {  	[sflag:s9] =	ssyncset.done $0x0  }
0x434: {  	[sflag:s9] =	ssyncadd.s32 $0xFFFFA000  }
0x435: {  	v3 =	vld [tilespmem:$0x340];
	_ =	sdelay $0x4  }
0x436: {  	v52 =	vshrl.u32 v3, $0x3  }
0x437: {  	v4 =	vmul.u32 $0x30, v52  }
0x438: {  	v3 =	vand.u32 $0x7, v3  }
0x439: {  	v3 =	vor.u32 v3, v4  }
0x43a: {  	v4 =	vperm.xlane v3, v0;
	_ =	sdelay $0x1  }
0x43b: {  	v4 =	vadd.s32 v1, v4;
	_ =	sdelay $0x3  }
0x43c: {  	s16 =	simm.s32 $0xC400;
	v3 =	vperm.xlane v3, v2  }
0x43d: {  	[tilespmem:s16], [sflag:$0x3] =	stream.indirect_vreg.gather [hbm4b:s2+s3], $0x80, v4, vm0, $0xb8;
	[tilespmem:$0x18400] =	vst v63  }
0x43e: {  	s21 =	simm.s32 $0xCC00;
	v3 =	vadd.s32 v1, v3  }
0x43f: {  	[tilespmem:s21], [sflag:$0x3] =	stream.indirect_vreg.gather [hbm4b:s4+s3], $0x80, v4, vm0, $0xb8;
	[tilespmem:$0x18400] =	vst v63  }
0x440: {  	s0 =	simm.s32 $0xD400  }
0x441: {  	[tilespmem:s0], [sflag:$0x3] =	stream.indirect_vreg.gather [hbm4b:s5+s3], $0x80, v4, vm0, $0xb8;
	[tilespmem:$0x18400] =	vst v63  }
0x442: {  	s24 =	simm.s32 $0xDC00  }
0x443: {  	[tilespmem:s24], [sflag:$0x3] =	stream.indirect_vreg.gather [hbm4b:s2+s3], $0x80, v3, vm0, $0xb8;
	[tilespmem:$0x18400] =	vst v63  }
0x444: {  	s23 =	simm.s32 $0xE400  }
0x445: {  	[tilespmem:s23], [sflag:$0x3] =	stream.indirect_vreg.gather [hbm4b:s4+s3], $0x80, v3, vm0, $0xb8;
	[tilespmem:$0x18400] =	vst v63  }
0x446: {  	s24 =	simm.s32 $0xEC00  }
0x447: {  	[tilespmem:s24], [sflag:$0x3] =	stream.indirect_vreg.gather [hbm4b:s5+s3], $0x80, v3, vm0, $0xb8;
	[tilespmem:$0x18400] =	vst v63  }
0x448: {  	v3 =	vld [tilespmem:$0x350];
	_ =	sdelay $0x4  }
0x449: {  	v53 =	vshrl.u32 v3, $0x3  }
0x44a: {  	v4 =	vmul.u32 $0x30, v53  }
0x44b: {  	v3 =	vand.u32 $0x7, v3  }
0x44c: {  	v3 =	vor.u32 v3, v4  }
0x44d: {  	v4 =	vperm.xlane v3, v0;
	_ =	sdelay $0x1  }
0x44e: {  	v4 =	vadd.s32 v1, v4;
	_ =	sdelay $0x3  }
0x44f: {  	s25 =	simm.s32 $0xF400;
	v3 =	vperm.xlane v3, v2  }
0x450: {  	[tilespmem:s25], [sflag:$0x3] =	stream.indirect_vreg.gather [hbm4b:s2+s3], $0x80, v4, vm0, $0xb8;
	[tilespmem:$0x18400] =	vst v63  }
0x451: {  	s0 =	simm.s32 $0xFC00;
	v3 =	vadd.s32 v1, v3  }
0x452: {  	[tilespmem:s0], [sflag:$0x3] =	stream.indirect_vreg.gather [hbm4b:s4+s3], $0x80, v4, vm0, $0xb8;
	[tilespmem:$0x18400] =	vst v63  }
0x453: {  	s17 =	simm.s32 $0x10400  }
0x454: {  	[tilespmem:s17], [sflag:$0x3] =	stream.indirect_vreg.gather [hbm4b:s5+s3], $0x80, v4, vm0, $0xb8;
	[tilespmem:$0x18400] =	vst v63  }
0x455: {  	s6 =	simm.s32 $0x10C00  }
0x456: {  	[tilespmem:s6], [sflag:$0x3] =	stream.indirect_vreg.gather [hbm4b:s2+s3], $0x80, v3, vm0, $0xb8;
	[tilespmem:$0x18400] =	vst v63  }
0x457: {  	s8 =	simm.s32 $0x11400  }
0x458: {  	[tilespmem:s8], [sflag:$0x3] =	stream.indirect_vreg.gather [hbm4b:s4+s3], $0x80, v3, vm0, $0xb8;
	[tilespmem:$0x18400] =	vst v63  }
0x459: {  	s17 =	simm.s32 $0x11C00  }
0x45a: {  	[tilespmem:s17], [sflag:$0x3] =	stream.indirect_vreg.gather [hbm4b:s5+s3], $0x80, v3, vm0, $0xb8;
	[tilespmem:$0x18400] =	vst v63  }
0x45b: {  	_ =	swait.ge [sflag:s19], $0x6000  }
0x45c: {  	[sflag:s19] =	ssyncset.done $0x0  }
0x45d: {  	[sflag:s19] =	ssyncadd.s32 $0xFFFFA000  }
0x45e: {  	v3 =	vld [tilespmem:$0x360];
	_ =	sdelay $0x4  }
0x45f: {  	v54 =	vshrl.u32 v3, $0x3  }
0x460: {  	v4 =	vmul.u32 $0x30, v54  }
0x461: {  	v3 =	vand.u32 $0x7, v3  }
0x462: {  	v3 =	vor.u32 v3, v4  }
0x463: {  	v4 =	vperm.xlane v3, v0;
	_ =	sdelay $0x1  }
0x464: {  	v4 =	vadd.s32 v1, v4;
	_ =	sdelay $0x3  }
0x465: {  	s18 =	simm.s32 $0x12400;
	v3 =	vperm.xlane v3, v2  }
0x466: {  	[tilespmem:s18], [sflag:$0x4] =	stream.indirect_vreg.gather [hbm4b:s2+s3], $0x80, v4, vm0, $0xb8;
	[tilespmem:$0x18400] =	vst v63  }
0x467: {  	s0 =	simm.s32 $0x12C00;
	v3 =	vadd.s32 v1, v3  }
0x468: {  	[tilespmem:s0], [sflag:$0x4] =	stream.indirect_vreg.gather [hbm4b:s4+s3], $0x80, v4, vm0, $0xb8;
	[tilespmem:$0x18400] =	vst v63  }
0x469: {  	s10 =	simm.s32 $0x13400  }
0x46a: {  	[tilespmem:s10], [sflag:$0x4] =	stream.indirect_vreg.gather [hbm4b:s5+s3], $0x80, v4, vm0, $0xb8;
	[tilespmem:$0x18400] =	vst v63  }
0x46b: {  	s6 =	simm.s32 $0x13C00  }
0x46c: {  	[tilespmem:s6], [sflag:$0x4] =	stream.indirect_vreg.gather [hbm4b:s2+s3], $0x80, v3, vm0, $0xb8;
	[tilespmem:$0x18400] =	vst v63  }
0x46d: {  	s12 =	simm.s32 $0x14400  }
0x46e: {  	[tilespmem:s12], [sflag:$0x4] =	stream.indirect_vreg.gather [hbm4b:s4+s3], $0x80, v3, vm0, $0xb8;
	[tilespmem:$0x18400] =	vst v63  }
0x46f: {  	s18 =	simm.s32 $0x14C00  }
0x470: {  	[tilespmem:s18], [sflag:$0x4] =	stream.indirect_vreg.gather [hbm4b:s5+s3], $0x80, v3, vm0, $0xb8;
	[tilespmem:$0x18400] =	vst v63  }
0x471: {  	v3 =	vld [tilespmem:$0x370];
	_ =	sdelay $0x4  }
0x472: {  	v55 =	vshrl.u32 v3, $0x3  }
0x473: {  	v4 =	vmul.u32 $0x30, v55  }
0x474: {  	v3 =	vand.u32 $0x7, v3  }
0x475: {  	v3 =	vor.u32 v3, v4  }
0x476: {  	v4 =	vperm.xlane v3, v0;
	_ =	sdelay $0x1  }
0x477: {  	v4 =	vadd.s32 v1, v4;
	_ =	sdelay $0x3  }
0x478: {  	s20 =	simm.s32 $0x15400;
	v3 =	vperm.xlane v3, v2  }
0x479: {  	[tilespmem:s20], [sflag:$0x4] =	stream.indirect_vreg.gather [hbm4b:s2+s3], $0x80, v4, vm0, $0xb8;
	[tilespmem:$0x18400] =	vst v63  }
0x47a: {  	s0 =	simm.s32 $0x15C00;
	v3 =	vadd.s32 v1, v3  }
0x47b: {  	[tilespmem:s0], [sflag:$0x4] =	stream.indirect_vreg.gather [hbm4b:s4+s3], $0x80, v4, vm0, $0xb8;
	[tilespmem:$0x18400] =	vst v63  }
0x47c: {  	s13 =	simm.s32 $0x16400  }
0x47d: {  	[tilespmem:s13], [sflag:$0x4] =	stream.indirect_vreg.gather [hbm4b:s5+s3], $0x80, v4, vm0, $0xb8;
	[tilespmem:$0x18400] =	vst v63  }
0x47e: {  	s6 =	simm.s32 $0x16C00  }
0x47f: {  	[tilespmem:s6], [sflag:$0x4] =	stream.indirect_vreg.gather [hbm4b:s2+s3], $0x80, v3, vm0, $0xb8;
	[tilespmem:$0x18400] =	vst v63  }
0x480: {  	s14 =	simm.s32 $0x17400  }
0x481: {  	[tilespmem:s14], [sflag:$0x4] =	stream.indirect_vreg.gather [hbm4b:s4+s3], $0x80, v3, vm0, $0xb8;
	[tilespmem:$0x18400] =	vst v63  }
0x482: {  	s0 =	simm.s32 $0x17C00  }
0x483: {  	[tilespmem:s0], [sflag:$0x4] =	stream.indirect_vreg.gather [hbm4b:s5+s3], $0x80, v3, vm0, $0xb8;
	[tilespmem:$0x18400] =	vst v63  }
0x484: {  	_ =	swait.ge [sflag:s1], $0x6000  }
0x485: {  	[sflag:s1] =	ssyncset.done $0x0  }
0x486: {  	[sflag:s1] =	ssyncadd.s32 $0xFFFFA000  }
0x487: {  	v3 =	vld [tilespmem:$0x380];
	_ =	sdelay $0x4  }
0x488: {  	v56 =	vshrl.u32 v3, $0x3  }
0x489: {  	v4 =	vmul.u32 $0x30, v56  }
0x48a: {  	v3 =	vand.u32 $0x7, v3  }
0x48b: {  	v3 =	vor.u32 v3, v4  }
0x48c: {  	v4 =	vperm.xlane v3, v0;
	_ =	sdelay $0x1  }
0x48d: {  	v4 =	vadd.s32 v1, v4;
	_ =	sdelay $0x3  }
0x48e: {  	s6 =	simm.s32 $0x400;
	v3 =	vperm.xlane v3, v2  }
0x48f: {  	[tilespmem:s6], [sflag:$0x1] =	stream.indirect_vreg.gather [hbm4b:s2+s3], $0x80, v4, vm0, $0xb8;
	[tilespmem:$0x18400] =	vst v63  }
0x490: {  	v3 =	vadd.s32 v1, v3;
	s6 =	simm.s32 $0xC00  }
0x491: {  	[tilespmem:s6], [sflag:$0x1] =	stream.indirect_vreg.gather [hbm4b:s4+s3], $0x80, v4, vm0, $0xb8;
	[tilespmem:$0x18400] =	vst v63  }
0x492: {  	s6 =	simm.s32 $0x1400  }
0x493: {  	[tilespmem:s6], [sflag:$0x1] =	stream.indirect_vreg.gather [hbm4b:s5+s3], $0x80, v4, vm0, $0xb8;
	[tilespmem:$0x18400] =	vst v63  }
0x494: {  	s6 =	simm.s32 $0x1C00  }
0x495: {  	[tilespmem:s6], [sflag:$0x1] =	stream.indirect_vreg.gather [hbm4b:s2+s3], $0x80, v3, vm0, $0xb8;
	[tilespmem:$0x18400] =	vst v63  }
0x496: {  	s6 =	simm.s32 $0x2400  }
0x497: {  	[tilespmem:s6], [sflag:$0x1] =	stream.indirect_vreg.gather [hbm4b:s4+s3], $0x80, v3, vm0, $0xb8;
	[tilespmem:$0x18400] =	vst v63  }
0x498: {  	s6 =	simm.s32 $0x2C00  }
0x499: {  	[tilespmem:s6], [sflag:$0x1] =	stream.indirect_vreg.gather [hbm4b:s5+s3], $0x80, v3, vm0, $0xb8;
	[tilespmem:$0x18400] =	vst v63  }
0x49a: {  	v3 =	vld [tilespmem:$0x390];
	_ =	sdelay $0x4  }
0x49b: {  	v57 =	vshrl.u32 v3, $0x3  }
0x49c: {  	v4 =	vmul.u32 $0x30, v57  }
0x49d: {  	v3 =	vand.u32 $0x7, v3  }
0x49e: {  	v3 =	vor.u32 v3, v4  }
0x49f: {  	v4 =	vperm.xlane v3, v0;
	_ =	sdelay $0x1  }
0x4a0: {  	v4 =	vadd.s32 v1, v4;
	_ =	sdelay $0x3  }
0x4a1: {  	s6 =	simm.s32 $0x3400;
	v3 =	vperm.xlane v3, v2  }
0x4a2: {  	[tilespmem:s6], [sflag:$0x1] =	stream.indirect_vreg.gather [hbm4b:s2+s3], $0x80, v4, vm0, $0xb8;
	[tilespmem:$0x18400] =	vst v63  }
0x4a3: {  	v3 =	vadd.s32 v1, v3;
	s6 =	simm.s32 $0x3C00  }
0x4a4: {  	[tilespmem:s6], [sflag:$0x1] =	stream.indirect_vreg.gather [hbm4b:s4+s3], $0x80, v4, vm0, $0xb8;
	[tilespmem:$0x18400] =	vst v63  }
0x4a5: {  	s6 =	simm.s32 $0x4400  }
0x4a6: {  	[tilespmem:s6], [sflag:$0x1] =	stream.indirect_vreg.gather [hbm4b:s5+s3], $0x80, v4, vm0, $0xb8;
	[tilespmem:$0x18400] =	vst v63  }
0x4a7: {  	s6 =	simm.s32 $0x4C00  }
0x4a8: {  	[tilespmem:s6], [sflag:$0x1] =	stream.indirect_vreg.gather [hbm4b:s2+s3], $0x80, v3, vm0, $0xb8;
	[tilespmem:$0x18400] =	vst v63  }
0x4a9: {  	s6 =	simm.s32 $0x5400  }
0x4aa: {  	[tilespmem:s6], [sflag:$0x1] =	stream.indirect_vreg.gather [hbm4b:s4+s3], $0x80, v3, vm0, $0xb8;
	[tilespmem:$0x18400] =	vst v63  }
0x4ab: {  	s6 =	simm.s32 $0x5C00  }
0x4ac: {  	[tilespmem:s6], [sflag:$0x1] =	stream.indirect_vreg.gather [hbm4b:s5+s3], $0x80, v3, vm0, $0xb8;
	[tilespmem:$0x18400] =	vst v63  }
0x4ad: {  	_ =	swait.ge [sflag:s7], $0x6000  }
0x4ae: {  	[sflag:s7] =	ssyncset.done $0x0  }
0x4af: {  	[sflag:s7] =	ssyncadd.s32 $0xFFFFA000  }
0x4b0: {  	v3 =	vld [tilespmem:$0x3A0];
	_ =	sdelay $0x4  }
0x4b1: {  	v58 =	vshrl.u32 v3, $0x3  }
0x4b2: {  	v4 =	vmul.u32 $0x30, v58  }
0x4b3: {  	v3 =	vand.u32 $0x7, v3  }
0x4b4: {  	v3 =	vor.u32 v3, v4  }
0x4b5: {  	v4 =	vperm.xlane v3, v0;
	_ =	sdelay $0x1  }
0x4b6: {  	v4 =	vadd.s32 v1, v4;
	_ =	sdelay $0x3  }
0x4b7: {  	s6 =	simm.s32 $0x6400;
	v3 =	vperm.xlane v3, v2  }
0x4b8: {  	[tilespmem:s6], [sflag:$0x2] =	stream.indirect_vreg.gather [hbm4b:s2+s3], $0x80, v4, vm0, $0xb8;
	[tilespmem:$0x18400] =	vst v63  }
0x4b9: {  	s15 =	simm.s32 $0x6C00;
	v3 =	vadd.s32 v1, v3  }
0x4ba: {  	[tilespmem:s15], [sflag:$0x2] =	stream.indirect_vreg.gather [hbm4b:s4+s3], $0x80, v4, vm0, $0xb8;
	[tilespmem:$0x18400] =	vst v63  }
0x4bb: {  	s22 =	simm.s32 $0x7400  }
0x4bc: {  	[tilespmem:s22], [sflag:$0x2] =	stream.indirect_vreg.gather [hbm4b:s5+s3], $0x80, v4, vm0, $0xb8;
	[tilespmem:$0x18400] =	vst v63  }
0x4bd: {  	s26 =	simm.s32 $0x7C00  }
0x4be: {  	[tilespmem:s26], [sflag:$0x2] =	stream.indirect_vreg.gather [hbm4b:s2+s3], $0x80, v3, vm0, $0xb8;
	[tilespmem:$0x18400] =	vst v63  }
0x4bf: {  	s28 =	simm.s32 $0x8400  }
0x4c0: {  	[tilespmem:s28], [sflag:$0x2] =	stream.indirect_vreg.gather [hbm4b:s4+s3], $0x80, v3, vm0, $0xb8;
	[tilespmem:$0x18400] =	vst v63  }
0x4c1: {  	s22 =	simm.s32 $0x8C00  }
0x4c2: {  	[tilespmem:s22], [sflag:$0x2] =	stream.indirect_vreg.gather [hbm4b:s5+s3], $0x80, v3, vm0, $0xb8;
	[tilespmem:$0x18400] =	vst v63  }
0x4c3: {  	v3 =	vld [tilespmem:$0x3B0];
	_ =	sdelay $0x4  }
0x4c4: {  	v59 =	vshrl.u32 v3, $0x3  }
0x4c5: {  	v4 =	vmul.u32 $0x30, v59  }
0x4c6: {  	v3 =	vand.u32 $0x7, v3  }
0x4c7: {  	v3 =	vor.u32 v3, v4  }
0x4c8: {  	v4 =	vperm.xlane v3, v0;
	_ =	sdelay $0x1  }
0x4c9: {  	v4 =	vadd.s32 v1, v4;
	_ =	sdelay $0x3  }
0x4ca: {  	s26 =	simm.s32 $0x9400;
	v3 =	vperm.xlane v3, v2  }
0x4cb: {  	[tilespmem:s26], [sflag:$0x2] =	stream.indirect_vreg.gather [hbm4b:s2+s3], $0x80, v4, vm0, $0xb8;
	[tilespmem:$0x18400] =	vst v63  }
0x4cc: {  	s29 =	simm.s32 $0x9C00;
	v3 =	vadd.s32 v1, v3  }
0x4cd: {  	[tilespmem:s29], [sflag:$0x2] =	stream.indirect_vreg.gather [hbm4b:s4+s3], $0x80, v4, vm0, $0xb8;
	[tilespmem:$0x18400] =	vst v63  }
0x4ce: {  	s30 =	simm.s32 $0xA400  }
0x4cf: {  	[tilespmem:s30], [sflag:$0x2] =	stream.indirect_vreg.gather [hbm4b:s5+s3], $0x80, v4, vm0, $0xb8;
	[tilespmem:$0x18400] =	vst v63  }
0x4d0: {  	s31 =	simm.s32 $0xAC00  }
0x4d1: {  	[tilespmem:s31], [sflag:$0x2] =	stream.indirect_vreg.gather [hbm4b:s2+s3], $0x80, v3, vm0, $0xb8;
	[tilespmem:$0x18400] =	vst v63  }
0x4d2: {  	s28 =	simm.s32 $0xB400  }
0x4d3: {  	[tilespmem:s28], [sflag:$0x2] =	stream.indirect_vreg.gather [hbm4b:s4+s3], $0x80, v3, vm0, $0xb8;
	[tilespmem:$0x18400] =	vst v63  }
0x4d4: {  	s29 =	simm.s32 $0xBC00  }
0x4d5: {  	[tilespmem:s29], [sflag:$0x2] =	stream.indirect_vreg.gather [hbm4b:s5+s3], $0x80, v3, vm0, $0xb8;
	[tilespmem:$0x18400] =	vst v63  }
0x4d6: {  	_ =	swait.ge [sflag:s9], $0x6000  }
0x4d7: {  	[sflag:s9] =	ssyncset.done $0x0  }
0x4d8: {  	[sflag:s9] =	ssyncadd.s32 $0xFFFFA000  }
0x4d9: {  	v3 =	vld [tilespmem:$0x3C0];
	_ =	sdelay $0x4  }
0x4da: {  	v60 =	vshrl.u32 v3, $0x3  }
0x4db: {  	v4 =	vmul.u32 $0x30, v60  }
0x4dc: {  	v3 =	vand.u32 $0x7, v3  }
0x4dd: {  	v3 =	vor.u32 v3, v4  }
0x4de: {  	v4 =	vperm.xlane v3, v0;
	_ =	sdelay $0x1  }
0x4df: {  	v4 =	vadd.s32 v1, v4;
	_ =	sdelay $0x3  }
0x4e0: {  	s30 =	simm.s32 $0xC400;
	v3 =	vperm.xlane v3, v2  }
0x4e1: {  	[tilespmem:s30], [sflag:$0x3] =	stream.indirect_vreg.gather [hbm4b:s2+s3], $0x80, v4, vm0, $0xb8;
	[tilespmem:$0x18400] =	vst v63  }
0x4e2: {  	s31 =	simm.s32 $0xCC00;
	v3 =	vadd.s32 v1, v3  }
0x4e3: {  	[tilespmem:s31], [sflag:$0x3] =	stream.indirect_vreg.gather [hbm4b:s4+s3], $0x80, v4, vm0, $0xb8;
	[tilespmem:$0x18400] =	vst v63  }
0x4e4: {  	s16 =	simm.s32 $0xD400  }
0x4e5: {  	[tilespmem:s16], [sflag:$0x3] =	stream.indirect_vreg.gather [hbm4b:s5+s3], $0x80, v4, vm0, $0xb8;
	[tilespmem:$0x18400] =	vst v63  }
0x4e6: {  	s21 =	simm.s32 $0xDC00  }
0x4e7: {  	[tilespmem:s21], [sflag:$0x3] =	stream.indirect_vreg.gather [hbm4b:s2+s3], $0x80, v3, vm0, $0xb8;
	[tilespmem:$0x18400] =	vst v63  }
0x4e8: {  	s15 =	simm.s32 $0xE400  }
0x4e9: {  	[tilespmem:s15], [sflag:$0x3] =	stream.indirect_vreg.gather [hbm4b:s4+s3], $0x80, v3, vm0, $0xb8;
	[tilespmem:$0x18400] =	vst v63  }
0x4ea: {  	s21 =	simm.s32 $0xEC00  }
0x4eb: {  	[tilespmem:s21], [sflag:$0x3] =	stream.indirect_vreg.gather [hbm4b:s5+s3], $0x80, v3, vm0, $0xb8;
	[tilespmem:$0x18400] =	vst v63  }
0x4ec: {  	v3 =	vld [tilespmem:$0x3D0];
	_ =	sdelay $0x4  }
0x4ed: {  	v61 =	vshrl.u32 v3, $0x3  }
0x4ee: {  	v4 =	vmul.u32 $0x30, v61  }
0x4ef: {  	v3 =	vand.u32 $0x7, v3  }
0x4f0: {  	v3 =	vor.u32 v3, v4  }
0x4f1: {  	v4 =	vperm.xlane v3, v0;
	_ =	sdelay $0x1  }
0x4f2: {  	v4 =	vadd.s32 v1, v4;
	_ =	sdelay $0x3  }
0x4f3: {  	s11 =	simm.s32 $0xF400;
	v3 =	vperm.xlane v3, v2  }
0x4f4: {  	[tilespmem:s11], [sflag:$0x3] =	stream.indirect_vreg.gather [hbm4b:s2+s3], $0x80, v4, vm0, $0xb8;
	[tilespmem:$0x18400] =	vst v63  }
0x4f5: {  	s25 =	simm.s32 $0xFC00;
	v3 =	vadd.s32 v1, v3  }
0x4f6: {  	[tilespmem:s25], [sflag:$0x3] =	stream.indirect_vreg.gather [hbm4b:s4+s3], $0x80, v4, vm0, $0xb8;
	[tilespmem:$0x18400] =	vst v63  }
0x4f7: {  	s24 =	simm.s32 $0x10400  }
0x4f8: {  	[tilespmem:s24], [sflag:$0x3] =	stream.indirect_vreg.gather [hbm4b:s5+s3], $0x80, v4, vm0, $0xb8;
	[tilespmem:$0x18400] =	vst v63  }
0x4f9: {  	s22 =	simm.s32 $0x10C00  }
0x4fa: {  	[tilespmem:s22], [sflag:$0x3] =	stream.indirect_vreg.gather [hbm4b:s2+s3], $0x80, v3, vm0, $0xb8;
	[tilespmem:$0x18400] =	vst v63  }
0x4fb: {  	s23 =	simm.s32 $0x11400  }
0x4fc: {  	[tilespmem:s23], [sflag:$0x3] =	stream.indirect_vreg.gather [hbm4b:s4+s3], $0x80, v3, vm0, $0xb8;
	[tilespmem:$0x18400] =	vst v63  }
0x4fd: {  	s24 =	simm.s32 $0x11C00  }
0x4fe: {  	[tilespmem:s24], [sflag:$0x3] =	stream.indirect_vreg.gather [hbm4b:s5+s3], $0x80, v3, vm0, $0xb8;
	[tilespmem:$0x18400] =	vst v63  }
0x4ff: {  	s16 =	rddreg [dreg:$0x6];
	_ =	swait.ge [sflag:s19], $0x6000  }
0x500: {  	[sflag:s19] =	ssyncset.done $0x0  }
0x501: {  	[sflag:s19] =	ssyncadd.s32 $0xFFFFA000  }
0x502: {  	v3 =	vld [tilespmem:$0x3E0];
	_ =	sdelay $0x4  }
0x503: {  	v62 =	vshrl.u32 v3, $0x3  }
0x504: {  	v4 =	vmul.u32 $0x30, v62  }
0x505: {  	v3 =	vand.u32 $0x7, v3  }
0x506: {  	v3 =	vor.u32 v3, v4  }
0x507: {  	v4 =	vperm.xlane v3, v0;
	_ =	sdelay $0x1  }
0x508: {  	v4 =	vadd.s32 v1, v4;
	_ =	sdelay $0x3  }
0x509: {  	s17 =	simm.s32 $0x12400;
	v3 =	vperm.xlane v3, v2  }
0x50a: {  	[tilespmem:s17], [sflag:$0x4] =	stream.indirect_vreg.gather [hbm4b:s2+s3], $0x80, v4, vm0, $0xb8;
	[tilespmem:$0x18400] =	vst v63  }
0x50b: {  	s25 =	simm.s32 $0x12C00;
	v3 =	vadd.s32 v1, v3  }
0x50c: {  	[tilespmem:s25], [sflag:$0x4] =	stream.indirect_vreg.gather [hbm4b:s4+s3], $0x80, v4, vm0, $0xb8;
	[tilespmem:$0x18400] =	vst v63  }
0x50d: {  	s8 =	simm.s32 $0x13400  }
0x50e: {  	[tilespmem:s8], [sflag:$0x4] =	stream.indirect_vreg.gather [hbm4b:s5+s3], $0x80, v4, vm0, $0xb8;
	[tilespmem:$0x18400] =	vst v63  }
0x50f: {  	s26 =	simm.s32 $0x13C00  }
0x510: {  	[tilespmem:s26], [sflag:$0x4] =	stream.indirect_vreg.gather [hbm4b:s2+s3], $0x80, v3, vm0, $0xb8;
	[tilespmem:$0x18400] =	vst v63  }
0x511: {  	s10 =	simm.s32 $0x14400  }
0x512: {  	[tilespmem:s10], [sflag:$0x4] =	stream.indirect_vreg.gather [hbm4b:s4+s3], $0x80, v3, vm0, $0xb8;
	[tilespmem:$0x18400] =	vst v63  }
0x513: {  	s28 =	simm.s32 $0x14C00  }
0x514: {  	[tilespmem:s28], [sflag:$0x4] =	stream.indirect_vreg.gather [hbm4b:s5+s3], $0x80, v3, vm0, $0xb8;
	[tilespmem:$0x18400] =	vst v63  }
0x515: {  	v3 =	vld [tilespmem:$0x3F0];
	_ =	sdelay $0x4  }
0x516: {  	v63 =	vshrl.u32 v3, $0x3  }
0x517: {  	v4 =	vmul.u32 $0x30, v63  }
0x518: {  	v3 =	vand.u32 $0x7, v3  }
0x519: {  	v3 =	vor.u32 v3, v4  }
0x51a: {  	v4 =	vperm.xlane v3, v0;
	_ =	sdelay $0x1  }
0x51b: {  	v4 =	vadd.s32 v1, v4;
	_ =	sdelay $0x3  }
0x51c: {  	s18 =	simm.s32 $0x15400;
	v3 =	vperm.xlane v3, v2  }
0x51d: {  	[tilespmem:s18], [sflag:$0x4] =	stream.indirect_vreg.gather [hbm4b:s2+s3], $0x80, v4, vm0, $0xb8;
	[tilespmem:$0x18400] =	vst v63  }
0x51e: {  	s20 =	simm.s32 $0x15C00;
	v3 =	vadd.s32 v1, v3  }
0x51f: {  	[tilespmem:s20], [sflag:$0x4] =	stream.indirect_vreg.gather [hbm4b:s4+s3], $0x80, v4, vm0, $0xb8;
	[tilespmem:$0x18400] =	vst v63  }
0x520: {  	s12 =	simm.s32 $0x16400  }
0x521: {  	[tilespmem:s12], [sflag:$0x4] =	stream.indirect_vreg.gather [hbm4b:s5+s3], $0x80, v4, vm0, $0xb8;
	[tilespmem:$0x18400] =	vst v63  }
0x522: {  	s29 =	simm.s32 $0x16C00  }
0x523: {  	[tilespmem:s29], [sflag:$0x4] =	stream.indirect_vreg.gather [hbm4b:s2+s3], $0x80, v3, vm0, $0xb8;
	[tilespmem:$0x18400] =	vst v63  }
0x524: {  	s13 =	simm.s32 $0x17400  }
0x525: {  	[tilespmem:s13], [sflag:$0x4] =	stream.indirect_vreg.gather [hbm4b:s4+s3], $0x80, v3, vm0, $0xb8;
	[tilespmem:$0x18400] =	vst v63  }
0x526: {  	s14 =	simm.s32 $0x17C00  }
0x527: {  	[tilespmem:s14], [sflag:$0x4] =	stream.indirect_vreg.gather [hbm4b:s5+s3], $0x80, v3, vm0, $0xb8;
	[tilespmem:$0x18400] =	vst v63  }
0x528: {  	_ =	swait.ge [sflag:s1], $0x6000  }
0x529: {  	[sflag:s1] =	ssyncset.done $0x0  }
0x52a: {  	[sflag:s1] =	ssyncadd.s32 $0xFFFFA000  }
0x52b: {  	_ =	swait.ge [sflag:s7], $0x6000  }
0x52c: {  	[sflag:s7] =	ssyncset.done $0x0  }
0x52d: {  	[sflag:s7] =	ssyncadd.s32 $0xFFFFA000  }
0x52e: {  	s0 =	simm.s32 $0x400;
	_ =	swait.ge [sflag:s9], $0x6000  }
0x52f: {  	s31 =	simm.s32 $0x5;
	p0 =	sne.s32 s16, $0x1;
	[sflag:s9] =	ssyncset.done $0x0  }
.Ltmp0:
0x530: {  	s30 =	rddreg [dreg:$0x5];
	[sflag:s9] =	ssyncadd.s32 $0xFFFFA000;
	(pc) =	sbr.rel @p0 .LBB2_1-.Ltmp0, $4  }
0x531: {  	[hbm4b:s30+s3] =	stream.linear.scatter [tilespmem:s0], [sflag:$0x5], $0x6000, $0x38;
	[tilespmem:$0x18400] =	vst v63  }
0x532: {  	_ =	swait.ge [sflag:s31], $0x6000  }
0x533: {  	[sflag:s31] =	ssyncset.done $0x0  }
0x534: {  	s6 =	sadd.s32 $0xFFFFFFFF, s16;
	[sflag:s31] =	ssyncadd.s32 $0xFFFFA000  }
0x535: {  	_ =	sfence.sel $0x180000  }
0x536: {  	[bflag:$0x0] =	sbarrier.arrive $0xFFFF  }
0x537: {  	_ =	strace $0x90000047  }
0x538: {  	s0 =	stileid.u32;
	[bflag:$0x2] =	sbarrier.arrive $0xFFFF  }
0x539: {  	p0 =	sne.s32 s0, $0x0;
	s0 =	rddreg [dreg:$0x3]  }
0x53a: {  	s0 =	sadd.s32 @!p0 $0x100000, s0  }
0x53b: {  	[sflag:s0] =	ssyncadd.tile.s32 @!p0 $0x1;
	_ =	shalt  }
.Lfunc_end2:
_tile_overlayer_lowered:
.L_overlay_start_2:
0x53c: {  	(tag) =	ssettag $0x2  }
0x53d: {  	s0 =	rddreg [dreg:$0x0];
	s2 =	stileid.u32  }
0x53e: {  	s1 =	rddreg [dreg:$0x1];
	p0 =	sne.s32 s2, $0x0  }
0x53f: {  	s3 =	rddreg [dreg:$0x2];
	[bflag:$0x3] =	sbarrier.arrive $0xFFFF;
	s2 =	simm.s32 @!p0 $0x1C06  }
0x540: {  	[timem:s3], [sflag:s2] =	dma.local @!p0 [hbm:s0], s1  }
0x541: {  	s0 =	simm.s32 @!p0 $0x6  }
0x542: {  	_ =	swait.ge @!p0 [sflag:s0], s1  }
0x543: {  	s1 =	ssub.s32 @!p0 $0x0, s1;
	[sflag:s0] =	ssyncset.done @!p0 $0x0  }
0x544: {  	[sflag:s0] =	ssyncadd.s32 @!p0 s1  }
0x545: {  	[bflag:$0x3] =	sbarrier.arrive $0xFFFF  }
0x546: {  	_ =	shalt  }

</sc_bundles>
